<compile_context>
chip_gen: v7x
topology: tpu7x:2x2x1
jax: 0.10.2.dev20260603
libtpu: 0.0.44.dev20260713+nightly
codegen_flags: <defaults>
</compile_context>

<pallas_src>
import functools

import jax
import jax.numpy as jnp
from jax import lax
from jax.experimental import pallas as pl
from jax.experimental.pallas import tpu as pltpu
from jax.experimental.pallas import tpu_sc as plsc


def _fmt_body(x_ref, o_ref):
    x = x_ref[...]
    E = x.shape[0]
    eye = (lax.broadcasted_iota(jnp.int32, (E, E), 0) ==
           lax.broadcasted_iota(jnp.int32, (E, E), 1)).astype(x.dtype)
    xt = lax.dot_general(x, eye, (((0,), (0,)), ((), ())),
                         preferred_element_type=jnp.float32)
    half = xt.shape[0] // 2
    o_ref[...] = jnp.concatenate([xt[:half], xt[half:]], axis=1)


def _make_table_fmt(V_pad, E):
    CH = 1024
    G = V_pad // CH
    return pl.pallas_call(
        _fmt_body,
        grid=(G,),
        in_specs=[pl.BlockSpec((E, CH), lambda i: (0, i))],
        out_specs=pl.BlockSpec((CH // 2, 2 * E), lambda i: (i, 0)),
        out_shape=jax.ShapeDtypeStruct((V_pad // 2, 2 * E), jnp.float32),
    )


def _make_sc_gather(V, E, N):
    info = plsc.get_sparse_core_info()
    NW = info.num_cores * info.num_subcores
    NC = info.num_cores
    per_w = N // NW
    CH = 80
    n_ch = per_w // CH
    assert per_w * NW == N and n_ch * CH == per_w

    mesh = plsc.VectorSubcoreMesh(core_axis_name="c", subcore_axis_name="s")

    @functools.partial(
        pl.kernel,
        mesh=mesh,
        out_type=jax.ShapeDtypeStruct((N, E), jnp.float32),
        scratch_types=[
            pltpu.VMEM((n_ch, CH), jnp.int32),
            pltpu.VMEM((per_w, E), jnp.float32),
            pltpu.SemaphoreType.DMA,
        ],
        compiler_params=pltpu.CompilerParams(use_tc_tiling_on_sc=False),
    )
    def gather_k(table_hbm, idx_hbm, out_hbm, idx_v, rows_v, sem):
        wid = lax.axis_index("s") * NC + lax.axis_index("c")
        base = wid * per_w
        pltpu.sync_copy(idx_hbm.at[wid], idx_v)
        copies = []
        for j in range(n_ch):
            copies.append(
                pltpu.async_copy(
                    table_hbm.at[idx_v.at[j]],
                    rows_v.at[pl.ds(j * CH, CH)],
                    sem,
                )
            )
        for c in copies:
            c.wait()
        pltpu.sync_copy(rows_v, out_hbm.at[pl.ds(base, per_w)])

    return gather_k


def _gru_body(B, E, L, H, lens_ref, wih_ref, whh_ref, bih_ref, bhh_ref,
              x_ref, out_ref, hid_ref, h_scr):
    t = pl.program_id(0)

    @pl.when(t == 0)
    def _init():
        h_scr[...] = jnp.zeros_like(h_scr)

    h = h_scr[...]
    v = x_ref[0]
    xt = jnp.concatenate([v[:, :E], v[:, E:]], axis=0)
    gi = lax.dot_general(wih_ref[...], xt, (((1,), (1,)), ((), ())),
                         preferred_element_type=jnp.float32)
    gi = gi + bih_ref[...]
    gh = jnp.dot(whh_ref[...], h, preferred_element_type=jnp.float32)
    gh = gh + bhh_ref[...]
    r = jax.nn.sigmoid(gi[:H] + gh[:H])
    z = jax.nn.sigmoid(gi[H:2 * H] + gh[H:2 * H])
    n = jnp.tanh(gi[2 * H:] + r * gh[2 * H:])
    h_new = (1.0 - z) * n + z * h
    valid = t < lens_ref[...]
    h_keep = jnp.where(valid, h_new, h)
    h_scr[...] = h_keep
    out_ref[0] = jnp.where(valid, h_new, 0.0)

    @pl.when(t == L - 1)
    def _fin():
        hid_ref[...] = h_keep


def _make_gru(B, L, E, H):
    return pl.pallas_call(
        functools.partial(_gru_body, B, E, L, H),
        grid=(L,),
        in_specs=[
            pl.BlockSpec((1, B), lambda t: (0, 0)),
            pl.BlockSpec((3 * H, E), lambda t: (0, 0)),
            pl.BlockSpec((3 * H, H), lambda t: (0, 0)),
            pl.BlockSpec((3 * H, 1), lambda t: (0, 0)),
            pl.BlockSpec((3 * H, 1), lambda t: (0, 0)),
            pl.BlockSpec((1, B // 2, 2 * E), lambda t: (t, 0, 0)),
        ],
        out_specs=[
            pl.BlockSpec((1, H, B), lambda t: (t, 0, 0)),
            pl.BlockSpec((H, B), lambda t: (0, 0)),
        ],
        out_shape=[
            jax.ShapeDtypeStruct((L, H, B), jnp.float32),
            jax.ShapeDtypeStruct((H, B), jnp.float32),
        ],
        scratch_shapes=[pltpu.VMEM((H, B), jnp.float32)],
    )


def kernel(input_seqs, seq_lengths, table, W_ih, W_hh, b_ih, b_hh):
    B, L = input_seqs.shape
    V, E = table.shape
    H = W_hh.shape[1]

    order = jnp.argsort(-seq_lengths)
    lengths = seq_lengths[order]
    seqs = input_seqs[order]

    info = plsc.get_sparse_core_info()
    NW = info.num_cores * info.num_subcores
    N = B * L
    per_w = N // NW
    CH = 80
    V_pad = -(-V // 1024) * 1024
    v = jnp.transpose(seqs, (1, 0))
    p = v % 1024
    sig = (v - p) + 2 * (p % 512) + p // 512
    binv = 512 * (jnp.arange(B) % 2) + jnp.arange(B) // 2
    sig = sig[:, binv]
    idx = sig.reshape(NW, per_w // CH, CH)

    table_fmt = _make_table_fmt(V_pad, E)(jnp.transpose(table, (1, 0)))
    table_rm = table_fmt.reshape(V_pad, E)

    emb = _make_sc_gather(V_pad, E, N)(table_rm, idx)
    x = emb.reshape(L, B // 2, 2 * E)

    out_t, hid_t = _make_gru(B, L, E, H)(
        lengths[None, :],
        W_ih,
        W_hh,
        b_ih[:, None],
        b_hh[:, None],
        x,
    )
    outputs = jnp.transpose(out_t, (2, 0, 1))
    hidden = jnp.transpose(hid_t, (1, 0))[None, :, :]
    return outputs, hidden

# --- scband reference (transcript-rebuilt; emitter-appended) ---
"""Pipeline reference for scband-batch-encoder-79182017069592 (READ-ONLY COPY).

The authoritative reference and input builder live on the scoring server;
editing this copy changes nothing except your own understanding.
"""

import jax, jax.numpy as jnp
import numpy as np

VOC = 100000
E = 64
H = 64
B = 1024
L = 50


def setup_inputs(seed: int = 0) -> dict:
    key = jax.random.key(seed)
    ks = jax.random.split(key, 8)
    input_seqs = jax.random.randint(ks[0], (B, L), 0, VOC, dtype=jnp.int32)
    seq_lengths = jax.random.randint(ks[1], (B,), 1, L + 1, dtype=jnp.int32)
    scale = 0.05
    table = jax.random.normal(ks[2], (VOC, E), dtype=jnp.float32) * scale
    W_ih = jax.random.normal(ks[3], (3 * H, E), dtype=jnp.float32) * scale
    W_hh = jax.random.normal(ks[4], (3 * H, H), dtype=jnp.float32) * scale
    b_ih = jax.random.normal(ks[5], (3 * H,), dtype=jnp.float32) * scale
    b_hh = jax.random.normal(ks[6], (3 * H,), dtype=jnp.float32) * scale
    return {"input_seqs": input_seqs, "seq_lengths": seq_lengths, "table": table,
            "W_ih": W_ih, "W_hh": W_hh, "b_ih": b_ih, "b_hh": b_hh}


def reference(input_seqs, seq_lengths, table, W_ih, W_hh, b_ih, b_hh):
    Bc, Lc = input_seqs.shape
    Hc = W_hh.shape[1]
    # sort sequences by length, descending (pack_padded_sequence requirement)
    order = jnp.argsort(-seq_lengths)
    lengths = seq_lengths[order]
    seqs = input_seqs[order]
    # embedding lookup (gather)
    emb = jnp.take(table, seqs, axis=0)           # [B, L, E]
    x = jnp.transpose(emb, (1, 0, 2))             # [L, B, E]
    h0 = jnp.zeros((Bc, Hc), dtype=table.dtype)

    def step(h, inp):
        x_t, t = inp
        gi = x_t @ W_ih.T + b_ih
        gh = h @ W_hh.T + b_hh
        i_r, i_z, i_n = jnp.split(gi, 3, axis=-1)
        h_r, h_z, h_n = jnp.split(gh, 3, axis=-1)
        r = jax.nn.sigmoid(i_r + h_r)
        z = jax.nn.sigmoid(i_z + h_z)
        n = jnp.tanh(i_n + r * h_n)
        h_new = (1.0 - z) * n + z * h
        valid = (t < lengths)[:, None]
        h_keep = jnp.where(valid, h_new, h)       # packed-sequence semantics: freeze hidden past length
        out_t = jnp.where(valid, h_new, 0.0)      # padded output is zero
        return h_keep, out_t

    hT, outs = jax.lax.scan(step, h0, (x, jnp.arange(Lc)))
    outputs = jnp.transpose(outs, (1, 0, 2))      # [B, L, H]
    hidden = hT[None, :, :]                       # [n_layers=1, B, H]
    return outputs, hidden

if __name__ == "__main__":
    import jax
    _d = setup_inputs()
    print(jax.jit(kernel)(*tuple(_d.values())))

</pallas_src>

<mosaic_0001>
#map = affine_map<(d0, d1) -> (0, 0)>
#map1 = affine_map<(d0, d1) -> (0, 0, 0)>
module attributes {stable_mosaic.version = 14 : i64} {
  func.func @gather_k(%arg0: i32, %arg1: i32, %arg2: memref<100352x64xf32, #tpu.memory_space<hbm>>, %arg3: memref<32x20x80xi32, #tpu.memory_space<hbm>>, %arg4: memref<51200x64xf32, #tpu.memory_space<hbm>>, %arg5: memref<20x80xi32, #tpu.memory_space<vmem>>, %arg6: memref<1600x64xf32, #tpu.memory_space<vmem>>, %arg7: memref<!tpu.dma_semaphore, #tpu.memory_space<semaphore_mem>>) attributes {dimension_semantics = [#tpu.dimension_semantics<core_parallel>, #tpu.dimension_semantics<subcore_parallel>], iteration_bounds = array<i64: 2, 16>, scalar_prefetch = 0 : i64, scratch_operands = 3 : i64, tpu.core_type = #tpu.core_type<sc_vector_subcore>, window_params = [{transform_indices = #map}, {transform_indices = #map1}, {transform_indices = #map}]} {
    %mul3A = arith.constant 2 : i32
    %mul3A_0 = arith.muli %arg1, %mul3A : i32
    %add3A = arith.addi %mul3A_0, %arg0 : i32
    %mul3A_1 = arith.constant 1600 : i32
    %mul3A_2 = arith.muli %add3A, %mul3A_1 : i32
    "tpu.region"() ({
      %run_scoped3A = tpu.sem_alloc : memref<!tpu.dma_semaphore, #tpu.memory_space<semaphore_mem>>
      %dma_start3A_401 = arith.constant 0 : i32
      %dma_start3A_402 = arith.constant 0 : i32
      %dma_start3A_403 = tpu.memref_slice %arg3[%add3A, %dma_start3A_401, %dma_start3A_402] : memref<32x20x80xi32, #tpu.memory_space<hbm>> -> memref<1x20x80xi32, #tpu.memory_space<hbm>>
      %dma_start3A_404 = tpu.memref_squeeze %dma_start3A_403 : memref<1x20x80xi32, #tpu.memory_space<hbm>> -> memref<20x80xi32, #tpu.memory_space<hbm>>
      %dma_start3A_405 = arith.constant 0 : i32
      %dma_start3A_406 = arith.constant 0 : i32
      %dma_start3A_407 = tpu.memref_slice %arg3[%add3A, %dma_start3A_405, %dma_start3A_406] : memref<32x20x80xi32, #tpu.memory_space<hbm>> -> memref<1x20x80xi32, #tpu.memory_space<hbm>>
      %dma_start3A_408 = tpu.memref_squeeze %dma_start3A_407 : memref<1x20x80xi32, #tpu.memory_space<hbm>> -> memref<20x80xi32, #tpu.memory_space<hbm>>
      tpu.enqueue_dma source(%dma_start3A_408 : memref<20x80xi32, #tpu.memory_space<hbm>>) target(%arg5 : memref<20x80xi32, #tpu.memory_space<vmem>>) target_semaphore(%run_scoped3A : memref<!tpu.dma_semaphore, #tpu.memory_space<semaphore_mem>>)
      %dma_wait3A_409 = arith.constant 0 : i32
      %dma_wait3A_410 = arith.constant 0 : i32
      %dma_wait3A_411 = tpu.memref_slice %arg3[%add3A, %dma_wait3A_409, %dma_wait3A_410] : memref<32x20x80xi32, #tpu.memory_space<hbm>> -> memref<1x20x80xi32, #tpu.memory_space<hbm>>
      %dma_wait3A_412 = tpu.memref_squeeze %dma_wait3A_411 : memref<1x20x80xi32, #tpu.memory_space<hbm>> -> memref<20x80xi32, #tpu.memory_space<hbm>>
      %dma_wait3A_413 = arith.constant 0 : i32
      %dma_wait3A_414 = arith.constant 0 : i32
      %dma_wait3A_415 = tpu.memref_slice %arg3[%add3A, %dma_wait3A_413, %dma_wait3A_414] : memref<32x20x80xi32, #tpu.memory_space<hbm>> -> memref<1x20x80xi32, #tpu.memory_space<hbm>>
      %dma_wait3A_416 = tpu.memref_squeeze %dma_wait3A_415 : memref<1x20x80xi32, #tpu.memory_space<hbm>> -> memref<20x80xi32, #tpu.memory_space<hbm>>
      tpu.wait_dma2 semaphore(%run_scoped3A : memref<!tpu.dma_semaphore, #tpu.memory_space<semaphore_mem>>) src(%dma_wait3A_416 : memref<20x80xi32, #tpu.memory_space<hbm>>) dst(%arg5 : memref<20x80xi32, #tpu.memory_space<vmem>>)
      tpu.yield
    }) : () -> ()
    %dma_start3A = arith.constant 0 : i32
    %dma_start3A_3 = arith.constant 0 : i32
    %dma_start3A_4 = arith.constant 0 : i32
    %dma_start3A_5 = tpu.memref_slice %arg6[%dma_start3A_3, %dma_start3A_4] : memref<1600x64xf32, #tpu.memory_space<vmem>> -> memref<80x64xf32, #tpu.memory_space<vmem>>
    %dma_start3A_6 = arith.constant 0 : i32
    %dma_start3A_7 = tpu.memref_slice %arg5[%dma_start3A, %dma_start3A_6] : memref<20x80xi32, #tpu.memory_space<vmem>> -> memref<1x80xi32, #tpu.memory_space<vmem>>
    %dma_start3A_8 = tpu.memref_squeeze %dma_start3A_7 : memref<1x80xi32, #tpu.memory_space<vmem>> -> memref<80xi32, #tpu.memory_space<vmem>>
    %dma_start3A_9 = arith.constant 0 : i32
    %dma_start3A_10 = arith.constant 0 : i32
    %dma_start3A_11 = tpu.memref_slice %arg2[%dma_start3A_9, %dma_start3A_10] : memref<100352x64xf32, #tpu.memory_space<hbm>> -> memref<100352x64xf32, #tpu.memory_space<hbm>>
    tpu.enqueue_indirect_dma source(%dma_start3A_11 : memref<100352x64xf32, #tpu.memory_space<hbm>>) target(%dma_start3A_5 : memref<80x64xf32, #tpu.memory_space<vmem>>) offsets(%dma_start3A_8 : memref<80xi32, #tpu.memory_space<vmem>>) semaphore(%arg7 : memref<!tpu.dma_semaphore, #tpu.memory_space<semaphore_mem>>)
    %dma_start3A_12 = arith.constant 1 : i32
    %dma_start3A_13 = arith.constant 80 : i32
    %dma_start3A_14 = arith.constant 0 : i32
    %dma_start3A_15 = tpu.memref_slice %arg6[%dma_start3A_13, %dma_start3A_14] : memref<1600x64xf32, #tpu.memory_space<vmem>> -> memref<80x64xf32, #tpu.memory_space<vmem>>
    %dma_start3A_16 = arith.constant 0 : i32
    %dma_start3A_17 = tpu.memref_slice %arg5[%dma_start3A_12, %dma_start3A_16] : memref<20x80xi32, #tpu.memory_space<vmem>> -> memref<1x80xi32, #tpu.memory_space<vmem>>
    %dma_start3A_18 = tpu.memref_squeeze %dma_start3A_17 : memref<1x80xi32, #tpu.memory_space<vmem>> -> memref<80xi32, #tpu.memory_space<vmem>>
    %dma_start3A_19 = arith.constant 0 : i32
    %dma_start3A_20 = arith.constant 0 : i32
    %dma_start3A_21 = tpu.memref_slice %arg2[%dma_start3A_19, %dma_start3A_20] : memref<100352x64xf32, #tpu.memory_space<hbm>> -> memref<100352x64xf32, #tpu.memory_space<hbm>>
    tpu.enqueue_indirect_dma source(%dma_start3A_21 : memref<100352x64xf32, #tpu.memory_space<hbm>>) target(%dma_start3A_15 : memref<80x64xf32, #tpu.memory_space<vmem>>) offsets(%dma_start3A_18 : memref<80xi32, #tpu.memory_space<vmem>>) semaphore(%arg7 : memref<!tpu.dma_semaphore, #tpu.memory_space<semaphore_mem>>)
    %dma_start3A_22 = arith.constant 2 : i32
    %dma_start3A_23 = arith.constant 160 : i32
    %dma_start3A_24 = arith.constant 0 : i32
    %dma_start3A_25 = tpu.memref_slice %arg6[%dma_start3A_23, %dma_start3A_24] : memref<1600x64xf32, #tpu.memory_space<vmem>> -> memref<80x64xf32, #tpu.memory_space<vmem>>
    %dma_start3A_26 = arith.constant 0 : i32
    %dma_start3A_27 = tpu.memref_slice %arg5[%dma_start3A_22, %dma_start3A_26] : memref<20x80xi32, #tpu.memory_space<vmem>> -> memref<1x80xi32, #tpu.memory_space<vmem>>
    %dma_start3A_28 = tpu.memref_squeeze %dma_start3A_27 : memref<1x80xi32, #tpu.memory_space<vmem>> -> memref<80xi32, #tpu.memory_space<vmem>>
    %dma_start3A_29 = arith.constant 0 : i32
    %dma_start3A_30 = arith.constant 0 : i32
    %dma_start3A_31 = tpu.memref_slice %arg2[%dma_start3A_29, %dma_start3A_30] : memref<100352x64xf32, #tpu.memory_space<hbm>> -> memref<100352x64xf32, #tpu.memory_space<hbm>>
    tpu.enqueue_indirect_dma source(%dma_start3A_31 : memref<100352x64xf32, #tpu.memory_space<hbm>>) target(%dma_start3A_25 : memref<80x64xf32, #tpu.memory_space<vmem>>) offsets(%dma_start3A_28 : memref<80xi32, #tpu.memory_space<vmem>>) semaphore(%arg7 : memref<!tpu.dma_semaphore, #tpu.memory_space<semaphore_mem>>)
    %dma_start3A_32 = arith.constant 3 : i32
    %dma_start3A_33 = arith.constant 240 : i32
    %dma_start3A_34 = arith.constant 0 : i32
    %dma_start3A_35 = tpu.memref_slice %arg6[%dma_start3A_33, %dma_start3A_34] : memref<1600x64xf32, #tpu.memory_space<vmem>> -> memref<80x64xf32, #tpu.memory_space<vmem>>
    %dma_start3A_36 = arith.constant 0 : i32
    %dma_start3A_37 = tpu.memref_slice %arg5[%dma_start3A_32, %dma_start3A_36] : memref<20x80xi32, #tpu.memory_space<vmem>> -> memref<1x80xi32, #tpu.memory_space<vmem>>
    %dma_start3A_38 = tpu.memref_squeeze %dma_start3A_37 : memref<1x80xi32, #tpu.memory_space<vmem>> -> memref<80xi32, #tpu.memory_space<vmem>>
    %dma_start3A_39 = arith.constant 0 : i32
    %dma_start3A_40 = arith.constant 0 : i32
    %dma_start3A_41 = tpu.memref_slice %arg2[%dma_start3A_39, %dma_start3A_40] : memref<100352x64xf32, #tpu.memory_space<hbm>> -> memref<100352x64xf32, #tpu.memory_space<hbm>>
    tpu.enqueue_indirect_dma source(%dma_start3A_41 : memref<100352x64xf32, #tpu.memory_space<hbm>>) target(%dma_start3A_35 : memref<80x64xf32, #tpu.memory_space<vmem>>) offsets(%dma_start3A_38 : memref<80xi32, #tpu.memory_space<vmem>>) semaphore(%arg7 : memref<!tpu.dma_semaphore, #tpu.memory_space<semaphore_mem>>)
    %dma_start3A_42 = arith.constant 4 : i32
    %dma_start3A_43 = arith.constant 320 : i32
    %dma_start3A_44 = arith.constant 0 : i32
    %dma_start3A_45 = tpu.memref_slice %arg6[%dma_start3A_43, %dma_start3A_44] : memref<1600x64xf32, #tpu.memory_space<vmem>> -> memref<80x64xf32, #tpu.memory_space<vmem>>
    %dma_start3A_46 = arith.constant 0 : i32
    %dma_start3A_47 = tpu.memref_slice %arg5[%dma_start3A_42, %dma_start3A_46] : memref<20x80xi32, #tpu.memory_space<vmem>> -> memref<1x80xi32, #tpu.memory_space<vmem>>
    %dma_start3A_48 = tpu.memref_squeeze %dma_start3A_47 : memref<1x80xi32, #tpu.memory_space<vmem>> -> memref<80xi32, #tpu.memory_space<vmem>>
    %dma_start3A_49 = arith.constant 0 : i32
    %dma_start3A_50 = arith.constant 0 : i32
    %dma_start3A_51 = tpu.memref_slice %arg2[%dma_start3A_49, %dma_start3A_50] : memref<100352x64xf32, #tpu.memory_space<hbm>> -> memref<100352x64xf32, #tpu.memory_space<hbm>>
    tpu.enqueue_indirect_dma source(%dma_start3A_51 : memref<100352x64xf32, #tpu.memory_space<hbm>>) target(%dma_start3A_45 : memref<80x64xf32, #tpu.memory_space<vmem>>) offsets(%dma_start3A_48 : memref<80xi32, #tpu.memory_space<vmem>>) semaphore(%arg7 : memref<!tpu.dma_semaphore, #tpu.memory_space<semaphore_mem>>)
    %dma_start3A_52 = arith.constant 5 : i32
    %dma_start3A_53 = arith.constant 400 : i32
    %dma_start3A_54 = arith.constant 0 : i32
    %dma_start3A_55 = tpu.memref_slice %arg6[%dma_start3A_53, %dma_start3A_54] : memref<1600x64xf32, #tpu.memory_space<vmem>> -> memref<80x64xf32, #tpu.memory_space<vmem>>
    %dma_start3A_56 = arith.constant 0 : i32
    %dma_start3A_57 = tpu.memref_slice %arg5[%dma_start3A_52, %dma_start3A_56] : memref<20x80xi32, #tpu.memory_space<vmem>> -> memref<1x80xi32, #tpu.memory_space<vmem>>
    %dma_start3A_58 = tpu.memref_squeeze %dma_start3A_57 : memref<1x80xi32, #tpu.memory_space<vmem>> -> memref<80xi32, #tpu.memory_space<vmem>>
    %dma_start3A_59 = arith.constant 0 : i32
    %dma_start3A_60 = arith.constant 0 : i32
    %dma_start3A_61 = tpu.memref_slice %arg2[%dma_start3A_59, %dma_start3A_60] : memref<100352x64xf32, #tpu.memory_space<hbm>> -> memref<100352x64xf32, #tpu.memory_space<hbm>>
    tpu.enqueue_indirect_dma source(%dma_start3A_61 : memref<100352x64xf32, #tpu.memory_space<hbm>>) target(%dma_start3A_55 : memref<80x64xf32, #tpu.memory_space<vmem>>) offsets(%dma_start3A_58 : memref<80xi32, #tpu.memory_space<vmem>>) semaphore(%arg7 : memref<!tpu.dma_semaphore, #tpu.memory_space<semaphore_mem>>)
    %dma_start3A_62 = arith.constant 6 : i32
    %dma_start3A_63 = arith.constant 480 : i32
    %dma_start3A_64 = arith.constant 0 : i32
    %dma_start3A_65 = tpu.memref_slice %arg6[%dma_start3A_63, %dma_start3A_64] : memref<1600x64xf32, #tpu.memory_space<vmem>> -> memref<80x64xf32, #tpu.memory_space<vmem>>
    %dma_start3A_66 = arith.constant 0 : i32
    %dma_start3A_67 = tpu.memref_slice %arg5[%dma_start3A_62, %dma_start3A_66] : memref<20x80xi32, #tpu.memory_space<vmem>> -> memref<1x80xi32, #tpu.memory_space<vmem>>
    %dma_start3A_68 = tpu.memref_squeeze %dma_start3A_67 : memref<1x80xi32, #tpu.memory_space<vmem>> -> memref<80xi32, #tpu.memory_space<vmem>>
    %dma_start3A_69 = arith.constant 0 : i32
    %dma_start3A_70 = arith.constant 0 : i32
    %dma_start3A_71 = tpu.memref_slice %arg2[%dma_start3A_69, %dma_start3A_70] : memref<100352x64xf32, #tpu.memory_space<hbm>> -> memref<100352x64xf32, #tpu.memory_space<hbm>>
    tpu.enqueue_indirect_dma source(%dma_start3A_71 : memref<100352x64xf32, #tpu.memory_space<hbm>>) target(%dma_start3A_65 : memref<80x64xf32, #tpu.memory_space<vmem>>) offsets(%dma_start3A_68 : memref<80xi32, #tpu.memory_space<vmem>>) semaphore(%arg7 : memref<!tpu.dma_semaphore, #tpu.memory_space<semaphore_mem>>)
    %dma_start3A_72 = arith.constant 7 : i32
    %dma_start3A_73 = arith.constant 560 : i32
    %dma_start3A_74 = arith.constant 0 : i32
    %dma_start3A_75 = tpu.memref_slice %arg6[%dma_start3A_73, %dma_start3A_74] : memref<1600x64xf32, #tpu.memory_space<vmem>> -> memref<80x64xf32, #tpu.memory_space<vmem>>
    %dma_start3A_76 = arith.constant 0 : i32
    %dma_start3A_77 = tpu.memref_slice %arg5[%dma_start3A_72, %dma_start3A_76] : memref<20x80xi32, #tpu.memory_space<vmem>> -> memref<1x80xi32, #tpu.memory_space<vmem>>
    %dma_start3A_78 = tpu.memref_squeeze %dma_start3A_77 : memref<1x80xi32, #tpu.memory_space<vmem>> -> memref<80xi32, #tpu.memory_space<vmem>>
    %dma_start3A_79 = arith.constant 0 : i32
    %dma_start3A_80 = arith.constant 0 : i32
    %dma_start3A_81 = tpu.memref_slice %arg2[%dma_start3A_79, %dma_start3A_80] : memref<100352x64xf32, #tpu.memory_space<hbm>> -> memref<100352x64xf32, #tpu.memory_space<hbm>>
    tpu.enqueue_indirect_dma source(%dma_start3A_81 : memref<100352x64xf32, #tpu.memory_space<hbm>>) target(%dma_start3A_75 : memref<80x64xf32, #tpu.memory_space<vmem>>) offsets(%dma_start3A_78 : memref<80xi32, #tpu.memory_space<vmem>>) semaphore(%arg7 : memref<!tpu.dma_semaphore, #tpu.memory_space<semaphore_mem>>)
    %dma_start3A_82 = arith.constant 8 : i32
    %dma_start3A_83 = arith.constant 640 : i32
    %dma_start3A_84 = arith.constant 0 : i32
    %dma_start3A_85 = tpu.memref_slice %arg6[%dma_start3A_83, %dma_start3A_84] : memref<1600x64xf32, #tpu.memory_space<vmem>> -> memref<80x64xf32, #tpu.memory_space<vmem>>
    %dma_start3A_86 = arith.constant 0 : i32
    %dma_start3A_87 = tpu.memref_slice %arg5[%dma_start3A_82, %dma_start3A_86] : memref<20x80xi32, #tpu.memory_space<vmem>> -> memref<1x80xi32, #tpu.memory_space<vmem>>
    %dma_start3A_88 = tpu.memref_squeeze %dma_start3A_87 : memref<1x80xi32, #tpu.memory_space<vmem>> -> memref<80xi32, #tpu.memory_space<vmem>>
    %dma_start3A_89 = arith.constant 0 : i32
    %dma_start3A_90 = arith.constant 0 : i32
    %dma_start3A_91 = tpu.memref_slice %arg2[%dma_start3A_89, %dma_start3A_90] : memref<100352x64xf32, #tpu.memory_space<hbm>> -> memref<100352x64xf32, #tpu.memory_space<hbm>>
    tpu.enqueue_indirect_dma source(%dma_start3A_91 : memref<100352x64xf32, #tpu.memory_space<hbm>>) target(%dma_start3A_85 : memref<80x64xf32, #tpu.memory_space<vmem>>) offsets(%dma_start3A_88 : memref<80xi32, #tpu.memory_space<vmem>>) semaphore(%arg7 : memref<!tpu.dma_semaphore, #tpu.memory_space<semaphore_mem>>)
    %dma_start3A_92 = arith.constant 9 : i32
    %dma_start3A_93 = arith.constant 720 : i32
    %dma_start3A_94 = arith.constant 0 : i32
    %dma_start3A_95 = tpu.memref_slice %arg6[%dma_start3A_93, %dma_start3A_94] : memref<1600x64xf32, #tpu.memory_space<vmem>> -> memref<80x64xf32, #tpu.memory_space<vmem>>
    %dma_start3A_96 = arith.constant 0 : i32
    %dma_start3A_97 = tpu.memref_slice %arg5[%dma_start3A_92, %dma_start3A_96] : memref<20x80xi32, #tpu.memory_space<vmem>> -> memref<1x80xi32, #tpu.memory_space<vmem>>
    %dma_start3A_98 = tpu.memref_squeeze %dma_start3A_97 : memref<1x80xi32, #tpu.memory_space<vmem>> -> memref<80xi32, #tpu.memory_space<vmem>>
    %dma_start3A_99 = arith.constant 0 : i32
    %dma_start3A_100 = arith.constant 0 : i32
    %dma_start3A_101 = tpu.memref_slice %arg2[%dma_start3A_99, %dma_start3A_100] : memref<100352x64xf32, #tpu.memory_space<hbm>> -> memref<100352x64xf32, #tpu.memory_space<hbm>>
    tpu.enqueue_indirect_dma source(%dma_start3A_101 : memref<100352x64xf32, #tpu.memory_space<hbm>>) target(%dma_start3A_95 : memref<80x64xf32, #tpu.memory_space<vmem>>) offsets(%dma_start3A_98 : memref<80xi32, #tpu.memory_space<vmem>>) semaphore(%arg7 : memref<!tpu.dma_semaphore, #tpu.memory_space<semaphore_mem>>)
    %dma_start3A_102 = arith.constant 10 : i32
    %dma_start3A_103 = arith.constant 800 : i32
    %dma_start3A_104 = arith.constant 0 : i32
    %dma_start3A_105 = tpu.memref_slice %arg6[%dma_start3A_103, %dma_start3A_104] : memref<1600x64xf32, #tpu.memory_space<vmem>> -> memref<80x64xf32, #tpu.memory_space<vmem>>
    %dma_start3A_106 = arith.constant 0 : i32
    %dma_start3A_107 = tpu.memref_slice %arg5[%dma_start3A_102, %dma_start3A_106] : memref<20x80xi32, #tpu.memory_space<vmem>> -> memref<1x80xi32, #tpu.memory_space<vmem>>
    %dma_start3A_108 = tpu.memref_squeeze %dma_start3A_107 : memref<1x80xi32, #tpu.memory_space<vmem>> -> memref<80xi32, #tpu.memory_space<vmem>>
    %dma_start3A_109 = arith.constant 0 : i32
    %dma_start3A_110 = arith.constant 0 : i32
    %dma_start3A_111 = tpu.memref_slice %arg2[%dma_start3A_109, %dma_start3A_110] : memref<100352x64xf32, #tpu.memory_space<hbm>> -> memref<100352x64xf32, #tpu.memory_space<hbm>>
    tpu.enqueue_indirect_dma source(%dma_start3A_111 : memref<100352x64xf32, #tpu.memory_space<hbm>>) target(%dma_start3A_105 : memref<80x64xf32, #tpu.memory_space<vmem>>) offsets(%dma_start3A_108 : memref<80xi32, #tpu.memory_space<vmem>>) semaphore(%arg7 : memref<!tpu.dma_semaphore, #tpu.memory_space<semaphore_mem>>)
    %dma_start3A_112 = arith.constant 11 : i32
    %dma_start3A_113 = arith.constant 880 : i32
    %dma_start3A_114 = arith.constant 0 : i32
    %dma_start3A_115 = tpu.memref_slice %arg6[%dma_start3A_113, %dma_start3A_114] : memref<1600x64xf32, #tpu.memory_space<vmem>> -> memref<80x64xf32, #tpu.memory_space<vmem>>
    %dma_start3A_116 = arith.constant 0 : i32
    %dma_start3A_117 = tpu.memref_slice %arg5[%dma_start3A_112, %dma_start3A_116] : memref<20x80xi32, #tpu.memory_space<vmem>> -> memref<1x80xi32, #tpu.memory_space<vmem>>
    %dma_start3A_118 = tpu.memref_squeeze %dma_start3A_117 : memref<1x80xi32, #tpu.memory_space<vmem>> -> memref<80xi32, #tpu.memory_space<vmem>>
    %dma_start3A_119 = arith.constant 0 : i32
    %dma_start3A_120 = arith.constant 0 : i32
    %dma_start3A_121 = tpu.memref_slice %arg2[%dma_start3A_119, %dma_start3A_120] : memref<100352x64xf32, #tpu.memory_space<hbm>> -> memref<100352x64xf32, #tpu.memory_space<hbm>>
    tpu.enqueue_indirect_dma source(%dma_start3A_121 : memref<100352x64xf32, #tpu.memory_space<hbm>>) target(%dma_start3A_115 : memref<80x64xf32, #tpu.memory_space<vmem>>) offsets(%dma_start3A_118 : memref<80xi32, #tpu.memory_space<vmem>>) semaphore(%arg7 : memref<!tpu.dma_semaphore, #tpu.memory_space<semaphore_mem>>)
    %dma_start3A_122 = arith.constant 12 : i32
    %dma_start3A_123 = arith.constant 960 : i32
    %dma_start3A_124 = arith.constant 0 : i32
    %dma_start3A_125 = tpu.memref_slice %arg6[%dma_start3A_123, %dma_start3A_124] : memref<1600x64xf32, #tpu.memory_space<vmem>> -> memref<80x64xf32, #tpu.memory_space<vmem>>
    %dma_start3A_126 = arith.constant 0 : i32
    %dma_start3A_127 = tpu.memref_slice %arg5[%dma_start3A_122, %dma_start3A_126] : memref<20x80xi32, #tpu.memory_space<vmem>> -> memref<1x80xi32, #tpu.memory_space<vmem>>
    %dma_start3A_128 = tpu.memref_squeeze %dma_start3A_127 : memref<1x80xi32, #tpu.memory_space<vmem>> -> memref<80xi32, #tpu.memory_space<vmem>>
    %dma_start3A_129 = arith.constant 0 : i32
    %dma_start3A_130 = arith.constant 0 : i32
    %dma_start3A_131 = tpu.memref_slice %arg2[%dma_start3A_129, %dma_start3A_130] : memref<100352x64xf32, #tpu.memory_space<hbm>> -> memref<100352x64xf32, #tpu.memory_space<hbm>>
    tpu.enqueue_indirect_dma source(%dma_start3A_131 : memref<100352x64xf32, #tpu.memory_space<hbm>>) target(%dma_start3A_125 : memref<80x64xf32, #tpu.memory_space<vmem>>) offsets(%dma_start3A_128 : memref<80xi32, #tpu.memory_space<vmem>>) semaphore(%arg7 : memref<!tpu.dma_semaphore, #tpu.memory_space<semaphore_mem>>)
    %dma_start3A_132 = arith.constant 13 : i32
    %dma_start3A_133 = arith.constant 1040 : i32
    %dma_start3A_134 = arith.constant 0 : i32
    %dma_start3A_135 = tpu.memref_slice %arg6[%dma_start3A_133, %dma_start3A_134] : memref<1600x64xf32, #tpu.memory_space<vmem>> -> memref<80x64xf32, #tpu.memory_space<vmem>>
    %dma_start3A_136 = arith.constant 0 : i32
    %dma_start3A_137 = tpu.memref_slice %arg5[%dma_start3A_132, %dma_start3A_136] : memref<20x80xi32, #tpu.memory_space<vmem>> -> memref<1x80xi32, #tpu.memory_space<vmem>>
    %dma_start3A_138 = tpu.memref_squeeze %dma_start3A_137 : memref<1x80xi32, #tpu.memory_space<vmem>> -> memref<80xi32, #tpu.memory_space<vmem>>
    %dma_start3A_139 = arith.constant 0 : i32
    %dma_start3A_140 = arith.constant 0 : i32
    %dma_start3A_141 = tpu.memref_slice %arg2[%dma_start3A_139, %dma_start3A_140] : memref<100352x64xf32, #tpu.memory_space<hbm>> -> memref<100352x64xf32, #tpu.memory_space<hbm>>
    tpu.enqueue_indirect_dma source(%dma_start3A_141 : memref<100352x64xf32, #tpu.memory_space<hbm>>) target(%dma_start3A_135 : memref<80x64xf32, #tpu.memory_space<vmem>>) offsets(%dma_start3A_138 : memref<80xi32, #tpu.memory_space<vmem>>) semaphore(%arg7 : memref<!tpu.dma_semaphore, #tpu.memory_space<semaphore_mem>>)
    %dma_start3A_142 = arith.constant 14 : i32
    %dma_start3A_143 = arith.constant 1120 : i32
    %dma_start3A_144 = arith.constant 0 : i32
    %dma_start3A_145 = tpu.memref_slice %arg6[%dma_start3A_143, %dma_start3A_144] : memref<1600x64xf32, #tpu.memory_space<vmem>> -> memref<80x64xf32, #tpu.memory_space<vmem>>
    %dma_start3A_146 = arith.constant 0 : i32
    %dma_start3A_147 = tpu.memref_slice %arg5[%dma_start3A_142, %dma_start3A_146] : memref<20x80xi32, #tpu.memory_space<vmem>> -> memref<1x80xi32, #tpu.memory_space<vmem>>
    %dma_start3A_148 = tpu.memref_squeeze %dma_start3A_147 : memref<1x80xi32, #tpu.memory_space<vmem>> -> memref<80xi32, #tpu.memory_space<vmem>>
    %dma_start3A_149 = arith.constant 0 : i32
    %dma_start3A_150 = arith.constant 0 : i32
    %dma_start3A_151 = tpu.memref_slice %arg2[%dma_start3A_149, %dma_start3A_150] : memref<100352x64xf32, #tpu.memory_space<hbm>> -> memref<100352x64xf32, #tpu.memory_space<hbm>>
    tpu.enqueue_indirect_dma source(%dma_start3A_151 : memref<100352x64xf32, #tpu.memory_space<hbm>>) target(%dma_start3A_145 : memref<80x64xf32, #tpu.memory_space<vmem>>) offsets(%dma_start3A_148 : memref<80xi32, #tpu.memory_space<vmem>>) semaphore(%arg7 : memref<!tpu.dma_semaphore, #tpu.memory_space<semaphore_mem>>)
    %dma_start3A_152 = arith.constant 15 : i32
    %dma_start3A_153 = arith.constant 1200 : i32
    %dma_start3A_154 = arith.constant 0 : i32
    %dma_start3A_155 = tpu.memref_slice %arg6[%dma_start3A_153, %dma_start3A_154] : memref<1600x64xf32, #tpu.memory_space<vmem>> -> memref<80x64xf32, #tpu.memory_space<vmem>>
    %dma_start3A_156 = arith.constant 0 : i32
    %dma_start3A_157 = tpu.memref_slice %arg5[%dma_start3A_152, %dma_start3A_156] : memref<20x80xi32, #tpu.memory_space<vmem>> -> memref<1x80xi32, #tpu.memory_space<vmem>>
    %dma_start3A_158 = tpu.memref_squeeze %dma_start3A_157 : memref<1x80xi32, #tpu.memory_space<vmem>> -> memref<80xi32, #tpu.memory_space<vmem>>
    %dma_start3A_159 = arith.constant 0 : i32
    %dma_start3A_160 = arith.constant 0 : i32
    %dma_start3A_161 = tpu.memref_slice %arg2[%dma_start3A_159, %dma_start3A_160] : memref<100352x64xf32, #tpu.memory_space<hbm>> -> memref<100352x64xf32, #tpu.memory_space<hbm>>
    tpu.enqueue_indirect_dma source(%dma_start3A_161 : memref<100352x64xf32, #tpu.memory_space<hbm>>) target(%dma_start3A_155 : memref<80x64xf32, #tpu.memory_space<vmem>>) offsets(%dma_start3A_158 : memref<80xi32, #tpu.memory_space<vmem>>) semaphore(%arg7 : memref<!tpu.dma_semaphore, #tpu.memory_space<semaphore_mem>>)
    %dma_start3A_162 = arith.constant 16 : i32
    %dma_start3A_163 = arith.constant 1280 : i32
    %dma_start3A_164 = arith.constant 0 : i32
    %dma_start3A_165 = tpu.memref_slice %arg6[%dma_start3A_163, %dma_start3A_164] : memref<1600x64xf32, #tpu.memory_space<vmem>> -> memref<80x64xf32, #tpu.memory_space<vmem>>
    %dma_start3A_166 = arith.constant 0 : i32
    %dma_start3A_167 = tpu.memref_slice %arg5[%dma_start3A_162, %dma_start3A_166] : memref<20x80xi32, #tpu.memory_space<vmem>> -> memref<1x80xi32, #tpu.memory_space<vmem>>
    %dma_start3A_168 = tpu.memref_squeeze %dma_start3A_167 : memref<1x80xi32, #tpu.memory_space<vmem>> -> memref<80xi32, #tpu.memory_space<vmem>>
    %dma_start3A_169 = arith.constant 0 : i32
    %dma_start3A_170 = arith.constant 0 : i32
    %dma_start3A_171 = tpu.memref_slice %arg2[%dma_start3A_169, %dma_start3A_170] : memref<100352x64xf32, #tpu.memory_space<hbm>> -> memref<100352x64xf32, #tpu.memory_space<hbm>>
    tpu.enqueue_indirect_dma source(%dma_start3A_171 : memref<100352x64xf32, #tpu.memory_space<hbm>>) target(%dma_start3A_165 : memref<80x64xf32, #tpu.memory_space<vmem>>) offsets(%dma_start3A_168 : memref<80xi32, #tpu.memory_space<vmem>>) semaphore(%arg7 : memref<!tpu.dma_semaphore, #tpu.memory_space<semaphore_mem>>)
    %dma_start3A_172 = arith.constant 17 : i32
    %dma_start3A_173 = arith.constant 1360 : i32
    %dma_start3A_174 = arith.constant 0 : i32
    %dma_start3A_175 = tpu.memref_slice %arg6[%dma_start3A_173, %dma_start3A_174] : memref<1600x64xf32, #tpu.memory_space<vmem>> -> memref<80x64xf32, #tpu.memory_space<vmem>>
    %dma_start3A_176 = arith.constant 0 : i32
    %dma_start3A_177 = tpu.memref_slice %arg5[%dma_start3A_172, %dma_start3A_176] : memref<20x80xi32, #tpu.memory_space<vmem>> -> memref<1x80xi32, #tpu.memory_space<vmem>>
    %dma_start3A_178 = tpu.memref_squeeze %dma_start3A_177 : memref<1x80xi32, #tpu.memory_space<vmem>> -> memref<80xi32, #tpu.memory_space<vmem>>
    %dma_start3A_179 = arith.constant 0 : i32
    %dma_start3A_180 = arith.constant 0 : i32
    %dma_start3A_181 = tpu.memref_slice %arg2[%dma_start3A_179, %dma_start3A_180] : memref<100352x64xf32, #tpu.memory_space<hbm>> -> memref<100352x64xf32, #tpu.memory_space<hbm>>
    tpu.enqueue_indirect_dma source(%dma_start3A_181 : memref<100352x64xf32, #tpu.memory_space<hbm>>) target(%dma_start3A_175 : memref<80x64xf32, #tpu.memory_space<vmem>>) offsets(%dma_start3A_178 : memref<80xi32, #tpu.memory_space<vmem>>) semaphore(%arg7 : memref<!tpu.dma_semaphore, #tpu.memory_space<semaphore_mem>>)
    %dma_start3A_182 = arith.constant 18 : i32
    %dma_start3A_183 = arith.constant 1440 : i32
    %dma_start3A_184 = arith.constant 0 : i32
    %dma_start3A_185 = tpu.memref_slice %arg6[%dma_start3A_183, %dma_start3A_184] : memref<1600x64xf32, #tpu.memory_space<vmem>> -> memref<80x64xf32, #tpu.memory_space<vmem>>
    %dma_start3A_186 = arith.constant 0 : i32
    %dma_start3A_187 = tpu.memref_slice %arg5[%dma_start3A_182, %dma_start3A_186] : memref<20x80xi32, #tpu.memory_space<vmem>> -> memref<1x80xi32, #tpu.memory_space<vmem>>
    %dma_start3A_188 = tpu.memref_squeeze %dma_start3A_187 : memref<1x80xi32, #tpu.memory_space<vmem>> -> memref<80xi32, #tpu.memory_space<vmem>>
    %dma_start3A_189 = arith.constant 0 : i32
    %dma_start3A_190 = arith.constant 0 : i32
    %dma_start3A_191 = tpu.memref_slice %arg2[%dma_start3A_189, %dma_start3A_190] : memref<100352x64xf32, #tpu.memory_space<hbm>> -> memref<100352x64xf32, #tpu.memory_space<hbm>>
    tpu.enqueue_indirect_dma source(%dma_start3A_191 : memref<100352x64xf32, #tpu.memory_space<hbm>>) target(%dma_start3A_185 : memref<80x64xf32, #tpu.memory_space<vmem>>) offsets(%dma_start3A_188 : memref<80xi32, #tpu.memory_space<vmem>>) semaphore(%arg7 : memref<!tpu.dma_semaphore, #tpu.memory_space<semaphore_mem>>)
    %dma_start3A_192 = arith.constant 19 : i32
    %dma_start3A_193 = arith.constant 1520 : i32
    %dma_start3A_194 = arith.constant 0 : i32
    %dma_start3A_195 = tpu.memref_slice %arg6[%dma_start3A_193, %dma_start3A_194] : memref<1600x64xf32, #tpu.memory_space<vmem>> -> memref<80x64xf32, #tpu.memory_space<vmem>>
    %dma_start3A_196 = arith.constant 0 : i32
    %dma_start3A_197 = tpu.memref_slice %arg5[%dma_start3A_192, %dma_start3A_196] : memref<20x80xi32, #tpu.memory_space<vmem>> -> memref<1x80xi32, #tpu.memory_space<vmem>>
    %dma_start3A_198 = tpu.memref_squeeze %dma_start3A_197 : memref<1x80xi32, #tpu.memory_space<vmem>> -> memref<80xi32, #tpu.memory_space<vmem>>
    %dma_start3A_199 = arith.constant 0 : i32
    %dma_start3A_200 = arith.constant 0 : i32
    %dma_start3A_201 = tpu.memref_slice %arg2[%dma_start3A_199, %dma_start3A_200] : memref<100352x64xf32, #tpu.memory_space<hbm>> -> memref<100352x64xf32, #tpu.memory_space<hbm>>
    tpu.enqueue_indirect_dma source(%dma_start3A_201 : memref<100352x64xf32, #tpu.memory_space<hbm>>) target(%dma_start3A_195 : memref<80x64xf32, #tpu.memory_space<vmem>>) offsets(%dma_start3A_198 : memref<80xi32, #tpu.memory_space<vmem>>) semaphore(%arg7 : memref<!tpu.dma_semaphore, #tpu.memory_space<semaphore_mem>>)
    %dma_wait3A = arith.constant 0 : i32
    %dma_wait3A_202 = arith.constant 0 : i32
    %dma_wait3A_203 = arith.constant 0 : i32
    %dma_wait3A_204 = tpu.memref_slice %arg6[%dma_wait3A_202, %dma_wait3A_203] : memref<1600x64xf32, #tpu.memory_space<vmem>> -> memref<80x64xf32, #tpu.memory_space<vmem>>
    %dma_wait3A_205 = arith.constant 0 : i32
    %dma_wait3A_206 = tpu.memref_slice %arg5[%dma_wait3A, %dma_wait3A_205] : memref<20x80xi32, #tpu.memory_space<vmem>> -> memref<1x80xi32, #tpu.memory_space<vmem>>
    %dma_wait3A_207 = tpu.memref_squeeze %dma_wait3A_206 : memref<1x80xi32, #tpu.memory_space<vmem>> -> memref<80xi32, #tpu.memory_space<vmem>>
    %dma_wait3A_208 = arith.constant 0 : i32
    %dma_wait3A_209 = arith.constant 0 : i32
    %dma_wait3A_210 = tpu.memref_slice %arg2[%dma_wait3A_208, %dma_wait3A_209] : memref<100352x64xf32, #tpu.memory_space<hbm>> -> memref<100352x64xf32, #tpu.memory_space<hbm>>
    tpu.wait_indirect_dma semaphore(%arg7 : memref<!tpu.dma_semaphore, #tpu.memory_space<semaphore_mem>>) src(%dma_wait3A_210 : memref<100352x64xf32, #tpu.memory_space<hbm>>) dst(%dma_wait3A_204 : memref<80x64xf32, #tpu.memory_space<vmem>>)
    %dma_wait3A_211 = arith.constant 1 : i32
    %dma_wait3A_212 = arith.constant 80 : i32
    %dma_wait3A_213 = arith.constant 0 : i32
    %dma_wait3A_214 = tpu.memref_slice %arg6[%dma_wait3A_212, %dma_wait3A_213] : memref<1600x64xf32, #tpu.memory_space<vmem>> -> memref<80x64xf32, #tpu.memory_space<vmem>>
    %dma_wait3A_215 = arith.constant 0 : i32
    %dma_wait3A_216 = tpu.memref_slice %arg5[%dma_wait3A_211, %dma_wait3A_215] : memref<20x80xi32, #tpu.memory_space<vmem>> -> memref<1x80xi32, #tpu.memory_space<vmem>>
    %dma_wait3A_217 = tpu.memref_squeeze %dma_wait3A_216 : memref<1x80xi32, #tpu.memory_space<vmem>> -> memref<80xi32, #tpu.memory_space<vmem>>
    %dma_wait3A_218 = arith.constant 0 : i32
    %dma_wait3A_219 = arith.constant 0 : i32
    %dma_wait3A_220 = tpu.memref_slice %arg2[%dma_wait3A_218, %dma_wait3A_219] : memref<100352x64xf32, #tpu.memory_space<hbm>> -> memref<100352x64xf32, #tpu.memory_space<hbm>>
    tpu.wait_indirect_dma semaphore(%arg7 : memref<!tpu.dma_semaphore, #tpu.memory_space<semaphore_mem>>) src(%dma_wait3A_220 : memref<100352x64xf32, #tpu.memory_space<hbm>>) dst(%dma_wait3A_214 : memref<80x64xf32, #tpu.memory_space<vmem>>)
    %dma_wait3A_221 = arith.constant 2 : i32
    %dma_wait3A_222 = arith.constant 160 : i32
    %dma_wait3A_223 = arith.constant 0 : i32
    %dma_wait3A_224 = tpu.memref_slice %arg6[%dma_wait3A_222, %dma_wait3A_223] : memref<1600x64xf32, #tpu.memory_space<vmem>> -> memref<80x64xf32, #tpu.memory_space<vmem>>
    %dma_wait3A_225 = arith.constant 0 : i32
    %dma_wait3A_226 = tpu.memref_slice %arg5[%dma_wait3A_221, %dma_wait3A_225] : memref<20x80xi32, #tpu.memory_space<vmem>> -> memref<1x80xi32, #tpu.memory_space<vmem>>
    %dma_wait3A_227 = tpu.memref_squeeze %dma_wait3A_226 : memref<1x80xi32, #tpu.memory_space<vmem>> -> memref<80xi32, #tpu.memory_space<vmem>>
    %dma_wait3A_228 = arith.constant 0 : i32
    %dma_wait3A_229 = arith.constant 0 : i32
    %dma_wait3A_230 = tpu.memref_slice %arg2[%dma_wait3A_228, %dma_wait3A_229] : memref<100352x64xf32, #tpu.memory_space<hbm>> -> memref<100352x64xf32, #tpu.memory_space<hbm>>
    tpu.wait_indirect_dma semaphore(%arg7 : memref<!tpu.dma_semaphore, #tpu.memory_space<semaphore_mem>>) src(%dma_wait3A_230 : memref<100352x64xf32, #tpu.memory_space<hbm>>) dst(%dma_wait3A_224 : memref<80x64xf32, #tpu.memory_space<vmem>>)
    %dma_wait3A_231 = arith.constant 3 : i32
    %dma_wait3A_232 = arith.constant 240 : i32
    %dma_wait3A_233 = arith.constant 0 : i32
    %dma_wait3A_234 = tpu.memref_slice %arg6[%dma_wait3A_232, %dma_wait3A_233] : memref<1600x64xf32, #tpu.memory_space<vmem>> -> memref<80x64xf32, #tpu.memory_space<vmem>>
    %dma_wait3A_235 = arith.constant 0 : i32
    %dma_wait3A_236 = tpu.memref_slice %arg5[%dma_wait3A_231, %dma_wait3A_235] : memref<20x80xi32, #tpu.memory_space<vmem>> -> memref<1x80xi32, #tpu.memory_space<vmem>>
    %dma_wait3A_237 = tpu.memref_squeeze %dma_wait3A_236 : memref<1x80xi32, #tpu.memory_space<vmem>> -> memref<80xi32, #tpu.memory_space<vmem>>
    %dma_wait3A_238 = arith.constant 0 : i32
    %dma_wait3A_239 = arith.constant 0 : i32
    %dma_wait3A_240 = tpu.memref_slice %arg2[%dma_wait3A_238, %dma_wait3A_239] : memref<100352x64xf32, #tpu.memory_space<hbm>> -> memref<100352x64xf32, #tpu.memory_space<hbm>>
    tpu.wait_indirect_dma semaphore(%arg7 : memref<!tpu.dma_semaphore, #tpu.memory_space<semaphore_mem>>) src(%dma_wait3A_240 : memref<100352x64xf32, #tpu.memory_space<hbm>>) dst(%dma_wait3A_234 : memref<80x64xf32, #tpu.memory_space<vmem>>)
    %dma_wait3A_241 = arith.constant 4 : i32
    %dma_wait3A_242 = arith.constant 320 : i32
    %dma_wait3A_243 = arith.constant 0 : i32
    %dma_wait3A_244 = tpu.memref_slice %arg6[%dma_wait3A_242, %dma_wait3A_243] : memref<1600x64xf32, #tpu.memory_space<vmem>> -> memref<80x64xf32, #tpu.memory_space<vmem>>
    %dma_wait3A_245 = arith.constant 0 : i32
    %dma_wait3A_246 = tpu.memref_slice %arg5[%dma_wait3A_241, %dma_wait3A_245] : memref<20x80xi32, #tpu.memory_space<vmem>> -> memref<1x80xi32, #tpu.memory_space<vmem>>
    %dma_wait3A_247 = tpu.memref_squeeze %dma_wait3A_246 : memref<1x80xi32, #tpu.memory_space<vmem>> -> memref<80xi32, #tpu.memory_space<vmem>>
    %dma_wait3A_248 = arith.constant 0 : i32
    %dma_wait3A_249 = arith.constant 0 : i32
    %dma_wait3A_250 = tpu.memref_slice %arg2[%dma_wait3A_248, %dma_wait3A_249] : memref<100352x64xf32, #tpu.memory_space<hbm>> -> memref<100352x64xf32, #tpu.memory_space<hbm>>
    tpu.wait_indirect_dma semaphore(%arg7 : memref<!tpu.dma_semaphore, #tpu.memory_space<semaphore_mem>>) src(%dma_wait3A_250 : memref<100352x64xf32, #tpu.memory_space<hbm>>) dst(%dma_wait3A_244 : memref<80x64xf32, #tpu.memory_space<vmem>>)
    %dma_wait3A_251 = arith.constant 5 : i32
    %dma_wait3A_252 = arith.constant 400 : i32
    %dma_wait3A_253 = arith.constant 0 : i32
    %dma_wait3A_254 = tpu.memref_slice %arg6[%dma_wait3A_252, %dma_wait3A_253] : memref<1600x64xf32, #tpu.memory_space<vmem>> -> memref<80x64xf32, #tpu.memory_space<vmem>>
    %dma_wait3A_255 = arith.constant 0 : i32
    %dma_wait3A_256 = tpu.memref_slice %arg5[%dma_wait3A_251, %dma_wait3A_255] : memref<20x80xi32, #tpu.memory_space<vmem>> -> memref<1x80xi32, #tpu.memory_space<vmem>>
    %dma_wait3A_257 = tpu.memref_squeeze %dma_wait3A_256 : memref<1x80xi32, #tpu.memory_space<vmem>> -> memref<80xi32, #tpu.memory_space<vmem>>
    %dma_wait3A_258 = arith.constant 0 : i32
    %dma_wait3A_259 = arith.constant 0 : i32
    %dma_wait3A_260 = tpu.memref_slice %arg2[%dma_wait3A_258, %dma_wait3A_259] : memref<100352x64xf32, #tpu.memory_space<hbm>> -> memref<100352x64xf32, #tpu.memory_space<hbm>>
    tpu.wait_indirect_dma semaphore(%arg7 : memref<!tpu.dma_semaphore, #tpu.memory_space<semaphore_mem>>) src(%dma_wait3A_260 : memref<100352x64xf32, #tpu.memory_space<hbm>>) dst(%dma_wait3A_254 : memref<80x64xf32, #tpu.memory_space<vmem>>)
    %dma_wait3A_261 = arith.constant 6 : i32
    %dma_wait3A_262 = arith.constant 480 : i32
    %dma_wait3A_263 = arith.constant 0 : i32
    %dma_wait3A_264 = tpu.memref_slice %arg6[%dma_wait3A_262, %dma_wait3A_263] : memref<1600x64xf32, #tpu.memory_space<vmem>> -> memref<80x64xf32, #tpu.memory_space<vmem>>
    %dma_wait3A_265 = arith.constant 0 : i32
    %dma_wait3A_266 = tpu.memref_slice %arg5[%dma_wait3A_261, %dma_wait3A_265] : memref<20x80xi32, #tpu.memory_space<vmem>> -> memref<1x80xi32, #tpu.memory_space<vmem>>
    %dma_wait3A_267 = tpu.memref_squeeze %dma_wait3A_266 : memref<1x80xi32, #tpu.memory_space<vmem>> -> memref<80xi32, #tpu.memory_space<vmem>>
    %dma_wait3A_268 = arith.constant 0 : i32
    %dma_wait3A_269 = arith.constant 0 : i32
    %dma_wait3A_270 = tpu.memref_slice %arg2[%dma_wait3A_268, %dma_wait3A_269] : memref<100352x64xf32, #tpu.memory_space<hbm>> -> memref<100352x64xf32, #tpu.memory_space<hbm>>
    tpu.wait_indirect_dma semaphore(%arg7 : memref<!tpu.dma_semaphore, #tpu.memory_space<semaphore_mem>>) src(%dma_wait3A_270 : memref<100352x64xf32, #tpu.memory_space<hbm>>) dst(%dma_wait3A_264 : memref<80x64xf32, #tpu.memory_space<vmem>>)
    %dma_wait3A_271 = arith.constant 7 : i32
    %dma_wait3A_272 = arith.constant 560 : i32
    %dma_wait3A_273 = arith.constant 0 : i32
    %dma_wait3A_274 = tpu.memref_slice %arg6[%dma_wait3A_272, %dma_wait3A_273] : memref<1600x64xf32, #tpu.memory_space<vmem>> -> memref<80x64xf32, #tpu.memory_space<vmem>>
    %dma_wait3A_275 = arith.constant 0 : i32
    %dma_wait3A_276 = tpu.memref_slice %arg5[%dma_wait3A_271, %dma_wait3A_275] : memref<20x80xi32, #tpu.memory_space<vmem>> -> memref<1x80xi32, #tpu.memory_space<vmem>>
    %dma_wait3A_277 = tpu.memref_squeeze %dma_wait3A_276 : memref<1x80xi32, #tpu.memory_space<vmem>> -> memref<80xi32, #tpu.memory_space<vmem>>
    %dma_wait3A_278 = arith.constant 0 : i32
    %dma_wait3A_279 = arith.constant 0 : i32
    %dma_wait3A_280 = tpu.memref_slice %arg2[%dma_wait3A_278, %dma_wait3A_279] : memref<100352x64xf32, #tpu.memory_space<hbm>> -> memref<100352x64xf32, #tpu.memory_space<hbm>>
    tpu.wait_indirect_dma semaphore(%arg7 : memref<!tpu.dma_semaphore, #tpu.memory_space<semaphore_mem>>) src(%dma_wait3A_280 : memref<100352x64xf32, #tpu.memory_space<hbm>>) dst(%dma_wait3A_274 : memref<80x64xf32, #tpu.memory_space<vmem>>)
    %dma_wait3A_281 = arith.constant 8 : i32
    %dma_wait3A_282 = arith.constant 640 : i32
    %dma_wait3A_283 = arith.constant 0 : i32
    %dma_wait3A_284 = tpu.memref_slice %arg6[%dma_wait3A_282, %dma_wait3A_283] : memref<1600x64xf32, #tpu.memory_space<vmem>> -> memref<80x64xf32, #tpu.memory_space<vmem>>
    %dma_wait3A_285 = arith.constant 0 : i32
    %dma_wait3A_286 = tpu.memref_slice %arg5[%dma_wait3A_281, %dma_wait3A_285] : memref<20x80xi32, #tpu.memory_space<vmem>> -> memref<1x80xi32, #tpu.memory_space<vmem>>
    %dma_wait3A_287 = tpu.memref_squeeze %dma_wait3A_286 : memref<1x80xi32, #tpu.memory_space<vmem>> -> memref<80xi32, #tpu.memory_space<vmem>>
    %dma_wait3A_288 = arith.constant 0 : i32
    %dma_wait3A_289 = arith.constant 0 : i32
    %dma_wait3A_290 = tpu.memref_slice %arg2[%dma_wait3A_288, %dma_wait3A_289] : memref<100352x64xf32, #tpu.memory_space<hbm>> -> memref<100352x64xf32, #tpu.memory_space<hbm>>
    tpu.wait_indirect_dma semaphore(%arg7 : memref<!tpu.dma_semaphore, #tpu.memory_space<semaphore_mem>>) src(%dma_wait3A_290 : memref<100352x64xf32, #tpu.memory_space<hbm>>) dst(%dma_wait3A_284 : memref<80x64xf32, #tpu.memory_space<vmem>>)
    %dma_wait3A_291 = arith.constant 9 : i32
    %dma_wait3A_292 = arith.constant 720 : i32
    %dma_wait3A_293 = arith.constant 0 : i32
    %dma_wait3A_294 = tpu.memref_slice %arg6[%dma_wait3A_292, %dma_wait3A_293] : memref<1600x64xf32, #tpu.memory_space<vmem>> -> memref<80x64xf32, #tpu.memory_space<vmem>>
    %dma_wait3A_295 = arith.constant 0 : i32
    %dma_wait3A_296 = tpu.memref_slice %arg5[%dma_wait3A_291, %dma_wait3A_295] : memref<20x80xi32, #tpu.memory_space<vmem>> -> memref<1x80xi32, #tpu.memory_space<vmem>>
    %dma_wait3A_297 = tpu.memref_squeeze %dma_wait3A_296 : memref<1x80xi32, #tpu.memory_space<vmem>> -> memref<80xi32, #tpu.memory_space<vmem>>
    %dma_wait3A_298 = arith.constant 0 : i32
    %dma_wait3A_299 = arith.constant 0 : i32
    %dma_wait3A_300 = tpu.memref_slice %arg2[%dma_wait3A_298, %dma_wait3A_299] : memref<100352x64xf32, #tpu.memory_space<hbm>> -> memref<100352x64xf32, #tpu.memory_space<hbm>>
    tpu.wait_indirect_dma semaphore(%arg7 : memref<!tpu.dma_semaphore, #tpu.memory_space<semaphore_mem>>) src(%dma_wait3A_300 : memref<100352x64xf32, #tpu.memory_space<hbm>>) dst(%dma_wait3A_294 : memref<80x64xf32, #tpu.memory_space<vmem>>)
    %dma_wait3A_301 = arith.constant 10 : i32
    %dma_wait3A_302 = arith.constant 800 : i32
    %dma_wait3A_303 = arith.constant 0 : i32
    %dma_wait3A_304 = tpu.memref_slice %arg6[%dma_wait3A_302, %dma_wait3A_303] : memref<1600x64xf32, #tpu.memory_space<vmem>> -> memref<80x64xf32, #tpu.memory_space<vmem>>
    %dma_wait3A_305 = arith.constant 0 : i32
    %dma_wait3A_306 = tpu.memref_slice %arg5[%dma_wait3A_301, %dma_wait3A_305] : memref<20x80xi32, #tpu.memory_space<vmem>> -> memref<1x80xi32, #tpu.memory_space<vmem>>
    %dma_wait3A_307 = tpu.memref_squeeze %dma_wait3A_306 : memref<1x80xi32, #tpu.memory_space<vmem>> -> memref<80xi32, #tpu.memory_space<vmem>>
    %dma_wait3A_308 = arith.constant 0 : i32
    %dma_wait3A_309 = arith.constant 0 : i32
    %dma_wait3A_310 = tpu.memref_slice %arg2[%dma_wait3A_308, %dma_wait3A_309] : memref<100352x64xf32, #tpu.memory_space<hbm>> -> memref<100352x64xf32, #tpu.memory_space<hbm>>
    tpu.wait_indirect_dma semaphore(%arg7 : memref<!tpu.dma_semaphore, #tpu.memory_space<semaphore_mem>>) src(%dma_wait3A_310 : memref<100352x64xf32, #tpu.memory_space<hbm>>) dst(%dma_wait3A_304 : memref<80x64xf32, #tpu.memory_space<vmem>>)
    %dma_wait3A_311 = arith.constant 11 : i32
    %dma_wait3A_312 = arith.constant 880 : i32
    %dma_wait3A_313 = arith.constant 0 : i32
    %dma_wait3A_314 = tpu.memref_slice %arg6[%dma_wait3A_312, %dma_wait3A_313] : memref<1600x64xf32, #tpu.memory_space<vmem>> -> memref<80x64xf32, #tpu.memory_space<vmem>>
    %dma_wait3A_315 = arith.constant 0 : i32
    %dma_wait3A_316 = tpu.memref_slice %arg5[%dma_wait3A_311, %dma_wait3A_315] : memref<20x80xi32, #tpu.memory_space<vmem>> -> memref<1x80xi32, #tpu.memory_space<vmem>>
    %dma_wait3A_317 = tpu.memref_squeeze %dma_wait3A_316 : memref<1x80xi32, #tpu.memory_space<vmem>> -> memref<80xi32, #tpu.memory_space<vmem>>
    %dma_wait3A_318 = arith.constant 0 : i32
    %dma_wait3A_319 = arith.constant 0 : i32
    %dma_wait3A_320 = tpu.memref_slice %arg2[%dma_wait3A_318, %dma_wait3A_319] : memref<100352x64xf32, #tpu.memory_space<hbm>> -> memref<100352x64xf32, #tpu.memory_space<hbm>>
    tpu.wait_indirect_dma semaphore(%arg7 : memref<!tpu.dma_semaphore, #tpu.memory_space<semaphore_mem>>) src(%dma_wait3A_320 : memref<100352x64xf32, #tpu.memory_space<hbm>>) dst(%dma_wait3A_314 : memref<80x64xf32, #tpu.memory_space<vmem>>)
    %dma_wait3A_321 = arith.constant 12 : i32
    %dma_wait3A_322 = arith.constant 960 : i32
    %dma_wait3A_323 = arith.constant 0 : i32
    %dma_wait3A_324 = tpu.memref_slice %arg6[%dma_wait3A_322, %dma_wait3A_323] : memref<1600x64xf32, #tpu.memory_space<vmem>> -> memref<80x64xf32, #tpu.memory_space<vmem>>
    %dma_wait3A_325 = arith.constant 0 : i32
    %dma_wait3A_326 = tpu.memref_slice %arg5[%dma_wait3A_321, %dma_wait3A_325] : memref<20x80xi32, #tpu.memory_space<vmem>> -> memref<1x80xi32, #tpu.memory_space<vmem>>
    %dma_wait3A_327 = tpu.memref_squeeze %dma_wait3A_326 : memref<1x80xi32, #tpu.memory_space<vmem>> -> memref<80xi32, #tpu.memory_space<vmem>>
    %dma_wait3A_328 = arith.constant 0 : i32
    %dma_wait3A_329 = arith.constant 0 : i32
    %dma_wait3A_330 = tpu.memref_slice %arg2[%dma_wait3A_328, %dma_wait3A_329] : memref<100352x64xf32, #tpu.memory_space<hbm>> -> memref<100352x64xf32, #tpu.memory_space<hbm>>
    tpu.wait_indirect_dma semaphore(%arg7 : memref<!tpu.dma_semaphore, #tpu.memory_space<semaphore_mem>>) src(%dma_wait3A_330 : memref<100352x64xf32, #tpu.memory_space<hbm>>) dst(%dma_wait3A_324 : memref<80x64xf32, #tpu.memory_space<vmem>>)
    %dma_wait3A_331 = arith.constant 13 : i32
    %dma_wait3A_332 = arith.constant 1040 : i32
    %dma_wait3A_333 = arith.constant 0 : i32
    %dma_wait3A_334 = tpu.memref_slice %arg6[%dma_wait3A_332, %dma_wait3A_333] : memref<1600x64xf32, #tpu.memory_space<vmem>> -> memref<80x64xf32, #tpu.memory_space<vmem>>
    %dma_wait3A_335 = arith.constant 0 : i32
    %dma_wait3A_336 = tpu.memref_slice %arg5[%dma_wait3A_331, %dma_wait3A_335] : memref<20x80xi32, #tpu.memory_space<vmem>> -> memref<1x80xi32, #tpu.memory_space<vmem>>
    %dma_wait3A_337 = tpu.memref_squeeze %dma_wait3A_336 : memref<1x80xi32, #tpu.memory_space<vmem>> -> memref<80xi32, #tpu.memory_space<vmem>>
    %dma_wait3A_338 = arith.constant 0 : i32
    %dma_wait3A_339 = arith.constant 0 : i32
    %dma_wait3A_340 = tpu.memref_slice %arg2[%dma_wait3A_338, %dma_wait3A_339] : memref<100352x64xf32, #tpu.memory_space<hbm>> -> memref<100352x64xf32, #tpu.memory_space<hbm>>
    tpu.wait_indirect_dma semaphore(%arg7 : memref<!tpu.dma_semaphore, #tpu.memory_space<semaphore_mem>>) src(%dma_wait3A_340 : memref<100352x64xf32, #tpu.memory_space<hbm>>) dst(%dma_wait3A_334 : memref<80x64xf32, #tpu.memory_space<vmem>>)
    %dma_wait3A_341 = arith.constant 14 : i32
    %dma_wait3A_342 = arith.constant 1120 : i32
    %dma_wait3A_343 = arith.constant 0 : i32
    %dma_wait3A_344 = tpu.memref_slice %arg6[%dma_wait3A_342, %dma_wait3A_343] : memref<1600x64xf32, #tpu.memory_space<vmem>> -> memref<80x64xf32, #tpu.memory_space<vmem>>
    %dma_wait3A_345 = arith.constant 0 : i32
    %dma_wait3A_346 = tpu.memref_slice %arg5[%dma_wait3A_341, %dma_wait3A_345] : memref<20x80xi32, #tpu.memory_space<vmem>> -> memref<1x80xi32, #tpu.memory_space<vmem>>
    %dma_wait3A_347 = tpu.memref_squeeze %dma_wait3A_346 : memref<1x80xi32, #tpu.memory_space<vmem>> -> memref<80xi32, #tpu.memory_space<vmem>>
    %dma_wait3A_348 = arith.constant 0 : i32
    %dma_wait3A_349 = arith.constant 0 : i32
    %dma_wait3A_350 = tpu.memref_slice %arg2[%dma_wait3A_348, %dma_wait3A_349] : memref<100352x64xf32, #tpu.memory_space<hbm>> -> memref<100352x64xf32, #tpu.memory_space<hbm>>
    tpu.wait_indirect_dma semaphore(%arg7 : memref<!tpu.dma_semaphore, #tpu.memory_space<semaphore_mem>>) src(%dma_wait3A_350 : memref<100352x64xf32, #tpu.memory_space<hbm>>) dst(%dma_wait3A_344 : memref<80x64xf32, #tpu.memory_space<vmem>>)
    %dma_wait3A_351 = arith.constant 15 : i32
    %dma_wait3A_352 = arith.constant 1200 : i32
    %dma_wait3A_353 = arith.constant 0 : i32
    %dma_wait3A_354 = tpu.memref_slice %arg6[%dma_wait3A_352, %dma_wait3A_353] : memref<1600x64xf32, #tpu.memory_space<vmem>> -> memref<80x64xf32, #tpu.memory_space<vmem>>
    %dma_wait3A_355 = arith.constant 0 : i32
    %dma_wait3A_356 = tpu.memref_slice %arg5[%dma_wait3A_351, %dma_wait3A_355] : memref<20x80xi32, #tpu.memory_space<vmem>> -> memref<1x80xi32, #tpu.memory_space<vmem>>
    %dma_wait3A_357 = tpu.memref_squeeze %dma_wait3A_356 : memref<1x80xi32, #tpu.memory_space<vmem>> -> memref<80xi32, #tpu.memory_space<vmem>>
    %dma_wait3A_358 = arith.constant 0 : i32
    %dma_wait3A_359 = arith.constant 0 : i32
    %dma_wait3A_360 = tpu.memref_slice %arg2[%dma_wait3A_358, %dma_wait3A_359] : memref<100352x64xf32, #tpu.memory_space<hbm>> -> memref<100352x64xf32, #tpu.memory_space<hbm>>
    tpu.wait_indirect_dma semaphore(%arg7 : memref<!tpu.dma_semaphore, #tpu.memory_space<semaphore_mem>>) src(%dma_wait3A_360 : memref<100352x64xf32, #tpu.memory_space<hbm>>) dst(%dma_wait3A_354 : memref<80x64xf32, #tpu.memory_space<vmem>>)
    %dma_wait3A_361 = arith.constant 16 : i32
    %dma_wait3A_362 = arith.constant 1280 : i32
    %dma_wait3A_363 = arith.constant 0 : i32
    %dma_wait3A_364 = tpu.memref_slice %arg6[%dma_wait3A_362, %dma_wait3A_363] : memref<1600x64xf32, #tpu.memory_space<vmem>> -> memref<80x64xf32, #tpu.memory_space<vmem>>
    %dma_wait3A_365 = arith.constant 0 : i32
    %dma_wait3A_366 = tpu.memref_slice %arg5[%dma_wait3A_361, %dma_wait3A_365] : memref<20x80xi32, #tpu.memory_space<vmem>> -> memref<1x80xi32, #tpu.memory_space<vmem>>
    %dma_wait3A_367 = tpu.memref_squeeze %dma_wait3A_366 : memref<1x80xi32, #tpu.memory_space<vmem>> -> memref<80xi32, #tpu.memory_space<vmem>>
    %dma_wait3A_368 = arith.constant 0 : i32
    %dma_wait3A_369 = arith.constant 0 : i32
    %dma_wait3A_370 = tpu.memref_slice %arg2[%dma_wait3A_368, %dma_wait3A_369] : memref<100352x64xf32, #tpu.memory_space<hbm>> -> memref<100352x64xf32, #tpu.memory_space<hbm>>
    tpu.wait_indirect_dma semaphore(%arg7 : memref<!tpu.dma_semaphore, #tpu.memory_space<semaphore_mem>>) src(%dma_wait3A_370 : memref<100352x64xf32, #tpu.memory_space<hbm>>) dst(%dma_wait3A_364 : memref<80x64xf32, #tpu.memory_space<vmem>>)
    %dma_wait3A_371 = arith.constant 17 : i32
    %dma_wait3A_372 = arith.constant 1360 : i32
    %dma_wait3A_373 = arith.constant 0 : i32
    %dma_wait3A_374 = tpu.memref_slice %arg6[%dma_wait3A_372, %dma_wait3A_373] : memref<1600x64xf32, #tpu.memory_space<vmem>> -> memref<80x64xf32, #tpu.memory_space<vmem>>
    %dma_wait3A_375 = arith.constant 0 : i32
    %dma_wait3A_376 = tpu.memref_slice %arg5[%dma_wait3A_371, %dma_wait3A_375] : memref<20x80xi32, #tpu.memory_space<vmem>> -> memref<1x80xi32, #tpu.memory_space<vmem>>
    %dma_wait3A_377 = tpu.memref_squeeze %dma_wait3A_376 : memref<1x80xi32, #tpu.memory_space<vmem>> -> memref<80xi32, #tpu.memory_space<vmem>>
    %dma_wait3A_378 = arith.constant 0 : i32
    %dma_wait3A_379 = arith.constant 0 : i32
    %dma_wait3A_380 = tpu.memref_slice %arg2[%dma_wait3A_378, %dma_wait3A_379] : memref<100352x64xf32, #tpu.memory_space<hbm>> -> memref<100352x64xf32, #tpu.memory_space<hbm>>
    tpu.wait_indirect_dma semaphore(%arg7 : memref<!tpu.dma_semaphore, #tpu.memory_space<semaphore_mem>>) src(%dma_wait3A_380 : memref<100352x64xf32, #tpu.memory_space<hbm>>) dst(%dma_wait3A_374 : memref<80x64xf32, #tpu.memory_space<vmem>>)
    %dma_wait3A_381 = arith.constant 18 : i32
    %dma_wait3A_382 = arith.constant 1440 : i32
    %dma_wait3A_383 = arith.constant 0 : i32
    %dma_wait3A_384 = tpu.memref_slice %arg6[%dma_wait3A_382, %dma_wait3A_383] : memref<1600x64xf32, #tpu.memory_space<vmem>> -> memref<80x64xf32, #tpu.memory_space<vmem>>
    %dma_wait3A_385 = arith.constant 0 : i32
    %dma_wait3A_386 = tpu.memref_slice %arg5[%dma_wait3A_381, %dma_wait3A_385] : memref<20x80xi32, #tpu.memory_space<vmem>> -> memref<1x80xi32, #tpu.memory_space<vmem>>
    %dma_wait3A_387 = tpu.memref_squeeze %dma_wait3A_386 : memref<1x80xi32, #tpu.memory_space<vmem>> -> memref<80xi32, #tpu.memory_space<vmem>>
    %dma_wait3A_388 = arith.constant 0 : i32
    %dma_wait3A_389 = arith.constant 0 : i32
    %dma_wait3A_390 = tpu.memref_slice %arg2[%dma_wait3A_388, %dma_wait3A_389] : memref<100352x64xf32, #tpu.memory_space<hbm>> -> memref<100352x64xf32, #tpu.memory_space<hbm>>
    tpu.wait_indirect_dma semaphore(%arg7 : memref<!tpu.dma_semaphore, #tpu.memory_space<semaphore_mem>>) src(%dma_wait3A_390 : memref<100352x64xf32, #tpu.memory_space<hbm>>) dst(%dma_wait3A_384 : memref<80x64xf32, #tpu.memory_space<vmem>>)
    %dma_wait3A_391 = arith.constant 19 : i32
    %dma_wait3A_392 = arith.constant 1520 : i32
    %dma_wait3A_393 = arith.constant 0 : i32
    %dma_wait3A_394 = tpu.memref_slice %arg6[%dma_wait3A_392, %dma_wait3A_393] : memref<1600x64xf32, #tpu.memory_space<vmem>> -> memref<80x64xf32, #tpu.memory_space<vmem>>
    %dma_wait3A_395 = arith.constant 0 : i32
    %dma_wait3A_396 = tpu.memref_slice %arg5[%dma_wait3A_391, %dma_wait3A_395] : memref<20x80xi32, #tpu.memory_space<vmem>> -> memref<1x80xi32, #tpu.memory_space<vmem>>
    %dma_wait3A_397 = tpu.memref_squeeze %dma_wait3A_396 : memref<1x80xi32, #tpu.memory_space<vmem>> -> memref<80xi32, #tpu.memory_space<vmem>>
    %dma_wait3A_398 = arith.constant 0 : i32
    %dma_wait3A_399 = arith.constant 0 : i32
    %dma_wait3A_400 = tpu.memref_slice %arg2[%dma_wait3A_398, %dma_wait3A_399] : memref<100352x64xf32, #tpu.memory_space<hbm>> -> memref<100352x64xf32, #tpu.memory_space<hbm>>
    tpu.wait_indirect_dma semaphore(%arg7 : memref<!tpu.dma_semaphore, #tpu.memory_space<semaphore_mem>>) src(%dma_wait3A_400 : memref<100352x64xf32, #tpu.memory_space<hbm>>) dst(%dma_wait3A_394 : memref<80x64xf32, #tpu.memory_space<vmem>>)
    "tpu.region"() ({
      %run_scoped3A = tpu.sem_alloc : memref<!tpu.dma_semaphore, #tpu.memory_space<semaphore_mem>>
      %dma_start3A_401 = arith.constant 0 : i32
      %dma_start3A_402 = tpu.memref_slice %arg4[%mul3A_2, %dma_start3A_401] : memref<51200x64xf32, #tpu.memory_space<hbm>> -> memref<1600x64xf32, #tpu.memory_space<hbm>>
      %dma_start3A_403 = arith.constant 0 : i32
      %dma_start3A_404 = tpu.memref_slice %arg4[%mul3A_2, %dma_start3A_403] : memref<51200x64xf32, #tpu.memory_space<hbm>> -> memref<1600x64xf32, #tpu.memory_space<hbm>>
      tpu.enqueue_dma source(%arg6 : memref<1600x64xf32, #tpu.memory_space<vmem>>) target(%dma_start3A_404 : memref<1600x64xf32, #tpu.memory_space<hbm>>) target_semaphore(%run_scoped3A : memref<!tpu.dma_semaphore, #tpu.memory_space<semaphore_mem>>)
      %dma_wait3A_405 = arith.constant 0 : i32
      %dma_wait3A_406 = tpu.memref_slice %arg4[%mul3A_2, %dma_wait3A_405] : memref<51200x64xf32, #tpu.memory_space<hbm>> -> memref<1600x64xf32, #tpu.memory_space<hbm>>
      %dma_wait3A_407 = arith.constant 0 : i32
      %dma_wait3A_408 = tpu.memref_slice %arg4[%mul3A_2, %dma_wait3A_407] : memref<51200x64xf32, #tpu.memory_space<hbm>> -> memref<1600x64xf32, #tpu.memory_space<hbm>>
      tpu.wait_dma2 semaphore(%run_scoped3A : memref<!tpu.dma_semaphore, #tpu.memory_space<semaphore_mem>>) src(%arg6 : memref<1600x64xf32, #tpu.memory_space<vmem>>) dst(%dma_wait3A_408 : memref<1600x64xf32, #tpu.memory_space<hbm>>)
      tpu.yield
    }) : () -> ()
    return
  }
}

module attributes {stable_mosaic.version = 14 : i64} {
  func.func @_fmt_body(%arg0: i32, %arg1: memref<64x1024xf32, #tpu.memory_space<vmem>>, %arg2: memref<512x128xf32, #tpu.memory_space<vmem>>) attributes {dimension_semantics = [#tpu.dimension_semantics<arbitrary>], iteration_bounds = array<i64: 98>, scalar_prefetch = 0 : i64, scratch_operands = 0 : i64, tpu.core_type = #tpu.core_type<tc>, window_params = [{transform_indices = @transform_0, window_bounds = array<i64: 64, 1024>}, {transform_indices = @transform_1, window_bounds = array<i64: 512, 128>}]} {
    %get3A = arith.constant 0 : index
    %get3A_0 = arith.constant 0 : index
    %get3A_1 = vector.load %arg1[%get3A, %get3A_0] : memref<64x1024xf32, #tpu.memory_space<vmem>>, vector<64x1024xf32>
    %iota3A = tpu.iota {dimensions = array<i32: 0>} : vector<64x64xi32>
    %iota3A_2 = tpu.iota {dimensions = array<i32: 1>} : vector<64x64xi32>
    %eq3A = arith.cmpi eq, %iota3A, %iota3A_2 : vector<64x64xi32>
    %convert_element_type3A = arith.extui %eq3A : vector<64x64xi1> to vector<64x64xi32>
    %convert_element_type3A_3 = arith.sitofp %convert_element_type3A : vector<64x64xi32> to vector<64x64xf32>
    %dot_general3A = arith.constant dense<0.000000e+00> : vector<1024x64xf32>
    %dot_general3A_4 = tpu.matmul %get3A_1, %convert_element_type3A_3, %dot_general3A {dimension_numbers = #tpu.dot_dimension_numbers<[0], [0], [1], [1], [0, 1, 1, 1], [], []>, transpose_lhs_hint = false} : vector<64x1024xf32>, vector<64x64xf32>, vector<1024x64xf32> -> vector<1024x64xf32>
    %slice3A = vector.extract_strided_slice %dot_general3A_4 {offsets = [0, 0], sizes = [512, 64], strides = [1, 1]} : vector<1024x64xf32> to vector<512x64xf32>
    %slice3A_5 = vector.extract_strided_slice %dot_general3A_4 {offsets = [512, 0], sizes = [512, 64], strides = [1, 1]} : vector<1024x64xf32> to vector<512x64xf32>
    %concatenate3A = tpu.concatenate %slice3A, %slice3A_5 in 1 : vector<512x64xf32>, vector<512x64xf32> -> vector<512x128xf32>
    %swap3A = arith.constant 0 : index
    %swap3A_6 = arith.constant 0 : index
    %swap3A_7 = vector.load %arg2[%swap3A, %swap3A_6] : memref<512x128xf32, #tpu.memory_space<vmem>>, vector<512x128xf32>
    tpu.vector_store %arg2[%swap3A, %swap3A_6], %concatenate3A {strides = array<i32>} : memref<512x128xf32, #tpu.memory_space<vmem>>, vector<512x128xf32>,
    return
  }
  func.func @transform_0(%arg0: i32) -> (i32, i32) {
    %c0_i32 = arith.constant 0 : i32
    %c0_i32_0 = arith.constant 0 : i32
    return %c0_i32, %arg0 : i32, i32
  }
  func.func @transform_1(%arg0: i32) -> (i32, i32) {
    %c0_i32 = arith.constant 0 : i32
    %c0_i32_0 = arith.constant 0 : i32
    return %arg0, %c0_i32 : i32, i32
  }
}

module attributes {stable_mosaic.version = 14 : i64} {
  func.func @_gru_body(%arg0: i32, %arg1: memref<1x1024xi32, #tpu.memory_space<vmem>>, %arg2: memref<192x64xf32, #tpu.memory_space<vmem>>, %arg3: memref<192x64xf32, #tpu.memory_space<vmem>>, %arg4: memref<192x1xf32, #tpu.memory_space<vmem>>, %arg5: memref<192x1xf32, #tpu.memory_space<vmem>>, %arg6: memref<1x512x128xf32, #tpu.memory_space<vmem>>, %arg7: memref<1x64x1024xf32, #tpu.memory_space<vmem>>, %arg8: memref<64x1024xf32, #tpu.memory_space<vmem>>, %arg9: memref<64x1024xf32, #tpu.memory_space<vmem>>) attributes {dimension_semantics = [#tpu.dimension_semantics<arbitrary>], iteration_bounds = array<i64: 50>, scalar_prefetch = 0 : i64, scratch_operands = 1 : i64, tpu.core_type = #tpu.core_type<tc>, window_params = [{pipeline_mode = #tpu.pipeline_mode<synchronous>, transform_indices = @transform_0, window_bounds = array<i64: 1, 1024>}, {pipeline_mode = #tpu.pipeline_mode<synchronous>, transform_indices = @transform_1, window_bounds = array<i64: 192, 64>}, {pipeline_mode = #tpu.pipeline_mode<synchronous>, transform_indices = @transform_2, window_bounds = array<i64: 192, 64>}, {pipeline_mode = #tpu.pipeline_mode<synchronous>, transform_indices = @transform_3, window_bounds = array<i64: 192, 1>}, {pipeline_mode = #tpu.pipeline_mode<synchronous>, transform_indices = @transform_4, window_bounds = array<i64: 192, 1>}, {transform_indices = @transform_5, window_bounds = array<i64: 1, 512, 128>}, {transform_indices = @transform_6, window_bounds = array<i64: 1, 64, 1024>}, {pipeline_mode = #tpu.pipeline_mode<synchronous>, transform_indices = @transform_7, window_bounds = array<i64: 64, 1024>}]} {
    %eq3A = arith.constant 0 : i32
    %eq3A_0 = arith.cmpi eq, %arg0, %eq3A : i32
    %convert_element_type3A = arith.extui %eq3A_0 : i1 to i32
    %cond3A = arith.constant 0 : i32
    %cond3A_1 = arith.cmpi ne, %convert_element_type3A, %cond3A : i32
    scf.if %cond3A_1 {
      %broadcast_in_dim3A_75 = arith.constant 0.000000e+00 : f32
      %broadcast_in_dim3A_76 = vector.broadcast %broadcast_in_dim3A_75 : f32 to vector<64x1024xf32>
      %swap3A_77 = arith.constant 0 : index
      %swap3A_78 = arith.constant 0 : index
      %swap3A_79 = vector.load %arg9[%swap3A_77, %swap3A_78] : memref<64x1024xf32, #tpu.memory_space<vmem>>, vector<64x1024xf32>
      tpu.vector_store %arg9[%swap3A_77, %swap3A_78], %broadcast_in_dim3A_76 {strides = array<i32>} : memref<64x1024xf32, #tpu.memory_space<vmem>>, vector<64x1024xf32>,
    } else {
    }
    %get3A = arith.constant 0 : index
    %get3A_2 = arith.constant 0 : index
    %get3A_3 = vector.load %arg9[%get3A, %get3A_2] : memref<64x1024xf32, #tpu.memory_space<vmem>>, vector<64x1024xf32>
    %get3A_4 = arith.constant 0 : index
    %get3A_5 = arith.constant 0 : index
    %get3A_6 = arith.constant 0 : index
    %get3A_7 = vector.load %arg6[%get3A_4, %get3A_5, %get3A_6] : memref<1x512x128xf32, #tpu.memory_space<vmem>>, vector<1x512x128xf32>
    %get3A_8 = vector.shape_cast %get3A_7 : vector<1x512x128xf32> to vector<512x128xf32>
    %slice3A = vector.extract_strided_slice %get3A_8 {offsets = [0, 0], sizes = [512, 64], strides = [1, 1]} : vector<512x128xf32> to vector<512x64xf32>
    %slice3A_9 = vector.extract_strided_slice %get3A_8 {offsets = [0, 64], sizes = [512, 64], strides = [1, 1]} : vector<512x128xf32> to vector<512x64xf32>
    %concatenate3A = tpu.concatenate %slice3A, %slice3A_9 in 0 : vector<512x64xf32>, vector<512x64xf32> -> vector<1024x64xf32>
    %get3A_10 = arith.constant 0 : index
    %get3A_11 = arith.constant 0 : index
    %get3A_12 = vector.load %arg2[%get3A_10, %get3A_11] : memref<192x64xf32, #tpu.memory_space<vmem>>, vector<192x64xf32>
    %dot_general3A = arith.constant dense<0.000000e+00> : vector<192x1024xf32>
    %dot_general3A_13 = tpu.matmul %get3A_12, %concatenate3A, %dot_general3A {dimension_numbers = #tpu.dot_dimension_numbers<[1], [1], [0], [0], [0, 0, 1, 0], [], []>, transpose_lhs_hint = false} : vector<192x64xf32>, vector<1024x64xf32>, vector<192x1024xf32> -> vector<192x1024xf32>
    %get3A_14 = arith.constant 0 : index
    %get3A_15 = arith.constant 0 : index
    %get3A_16 = vector.load %arg4[%get3A_14, %get3A_15] : memref<192x1xf32, #tpu.memory_space<vmem>>, vector<192x1xf32>
    %add3A = vector.broadcast %get3A_16 : vector<192x1xf32> to vector<192x1024xf32>
    %add3A_17 = arith.addf %dot_general3A_13, %add3A : vector<192x1024xf32>
    %get3A_18 = arith.constant 0 : index
    %get3A_19 = arith.constant 0 : index
    %get3A_20 = vector.load %arg3[%get3A_18, %get3A_19] : memref<192x64xf32, #tpu.memory_space<vmem>>, vector<192x64xf32>
    %dot_general3A_21 = arith.constant dense<0.000000e+00> : vector<192x1024xf32>
    %dot_general3A_22 = tpu.matmul %get3A_20, %get3A_3, %dot_general3A_21 {dimension_numbers = #tpu.dot_dimension_numbers<[1], [0], [0], [1], [0, 0, 1, 1], [], []>, transpose_lhs_hint = false} : vector<192x64xf32>, vector<64x1024xf32>, vector<192x1024xf32> -> vector<192x1024xf32>
    %get3A_23 = arith.constant 0 : index
    %get3A_24 = arith.constant 0 : index
    %get3A_25 = vector.load %arg5[%get3A_23, %get3A_24] : memref<192x1xf32, #tpu.memory_space<vmem>>, vector<192x1xf32>
    %add3A_26 = vector.broadcast %get3A_25 : vector<192x1xf32> to vector<192x1024xf32>
    %add3A_27 = arith.addf %dot_general3A_22, %add3A_26 : vector<192x1024xf32>
    %slice3A_28 = vector.extract_strided_slice %add3A_17 {offsets = [0, 0], sizes = [64, 1024], strides = [1, 1]} : vector<192x1024xf32> to vector<64x1024xf32>
    %slice3A_29 = vector.extract_strided_slice %add3A_27 {offsets = [0, 0], sizes = [64, 1024], strides = [1, 1]} : vector<192x1024xf32> to vector<64x1024xf32>
    %add3A_30 = arith.addf %slice3A_28, %slice3A_29 : vector<64x1024xf32>
    %logistic3A = arith.negf %add3A_30 : vector<64x1024xf32>
    %logistic3A_31 = math.exp %logistic3A : vector<64x1024xf32>
    %logistic3A_32 = arith.constant 1.000000e+00 : f32
    %logistic3A_33 = vector.broadcast %logistic3A_32 : f32 to vector<64x1024xf32>
    %logistic3A_34 = arith.addf %logistic3A_33, %logistic3A_31 : vector<64x1024xf32>
    %logistic3A_35 = arith.divf %logistic3A_33, %logistic3A_34 : vector<64x1024xf32>
    %slice3A_36 = vector.extract_strided_slice %add3A_17 {offsets = [64, 0], sizes = [64, 1024], strides = [1, 1]} : vector<192x1024xf32> to vector<64x1024xf32>
    %slice3A_37 = vector.extract_strided_slice %add3A_27 {offsets = [64, 0], sizes = [64, 1024], strides = [1, 1]} : vector<192x1024xf32> to vector<64x1024xf32>
    %add3A_38 = arith.addf %slice3A_36, %slice3A_37 : vector<64x1024xf32>
    %logistic3A_39 = arith.negf %add3A_38 : vector<64x1024xf32>
    %logistic3A_40 = math.exp %logistic3A_39 : vector<64x1024xf32>
    %logistic3A_41 = arith.constant 1.000000e+00 : f32
    %logistic3A_42 = vector.broadcast %logistic3A_41 : f32 to vector<64x1024xf32>
    %logistic3A_43 = arith.addf %logistic3A_42, %logistic3A_40 : vector<64x1024xf32>
    %logistic3A_44 = arith.divf %logistic3A_42, %logistic3A_43 : vector<64x1024xf32>
    %slice3A_45 = vector.extract_strided_slice %add3A_17 {offsets = [128, 0], sizes = [64, 1024], strides = [1, 1]} : vector<192x1024xf32> to vector<64x1024xf32>
    %slice3A_46 = vector.extract_strided_slice %add3A_27 {offsets = [128, 0], sizes = [64, 1024], strides = [1, 1]} : vector<192x1024xf32> to vector<64x1024xf32>
    %mul3A = arith.mulf %logistic3A_35, %slice3A_46 : vector<64x1024xf32>
    %add3A_47 = arith.addf %slice3A_45, %mul3A : vector<64x1024xf32>
    %tanh3A = math.tanh %add3A_47 : vector<64x1024xf32>
    %sub3A = arith.constant 1.000000e+00 : f32
    %sub3A_48 = vector.broadcast %sub3A : f32 to vector<64x1024xf32>
    %sub3A_49 = arith.subf %sub3A_48, %logistic3A_44 : vector<64x1024xf32>
    %mul3A_50 = arith.mulf %sub3A_49, %tanh3A : vector<64x1024xf32>
    %mul3A_51 = arith.mulf %logistic3A_44, %get3A_3 : vector<64x1024xf32>
    %add3A_52 = arith.addf %mul3A_50, %mul3A_51 : vector<64x1024xf32>
    %get3A_53 = arith.constant 0 : index
    %get3A_54 = arith.constant 0 : index
    %get3A_55 = vector.load %arg1[%get3A_53, %get3A_54] : memref<1x1024xi32, #tpu.memory_space<vmem>>, vector<1x1024xi32>
    %lt3A = vector.broadcast %arg0 : i32 to vector<1x1024xi32>
    %lt3A_56 = arith.cmpi slt, %lt3A, %get3A_55 : vector<1x1024xi32>
    %broadcast_in_dim3A = vector.shape_cast %lt3A_56 : vector<1x1024xi1> to vector<1x1024xi1>
    %broadcast_in_dim3A_57 = vector.broadcast %broadcast_in_dim3A : vector<1x1024xi1> to vector<64x1024xi1>
    %select_n3A = arith.select %broadcast_in_dim3A_57, %add3A_52, %get3A_3 : vector<64x1024xi1>, vector<64x1024xf32>
    %swap3A = arith.constant 0 : index
    %swap3A_58 = arith.constant 0 : index
    %swap3A_59 = vector.load %arg9[%swap3A, %swap3A_58] : memref<64x1024xf32, #tpu.memory_space<vmem>>, vector<64x1024xf32>
    tpu.vector_store %arg9[%swap3A, %swap3A_58], %select_n3A {strides = array<i32>} : memref<64x1024xf32, #tpu.memory_space<vmem>>, vector<64x1024xf32>,
    %jit3A = arith.constant 0.000000e+00 : f32
    %broadcast_in_dim3A_60 = vector.shape_cast %lt3A_56 : vector<1x1024xi1> to vector<1x1024xi1>
    %broadcast_in_dim3A_61 = vector.broadcast %broadcast_in_dim3A_60 : vector<1x1024xi1> to vector<64x1024xi1>
    %broadcast_in_dim3A_62 = vector.broadcast %jit3A : f32 to vector<64x1024xf32>
    %select_n3A_63 = arith.select %broadcast_in_dim3A_61, %add3A_52, %broadcast_in_dim3A_62 : vector<64x1024xi1>, vector<64x1024xf32>
    %swap3A_64 = arith.constant 0 : index
    %swap3A_65 = arith.constant 0 : index
    %swap3A_66 = arith.constant 0 : index
    %swap3A_67 = vector.load %arg7[%swap3A_64, %swap3A_65, %swap3A_66] : memref<1x64x1024xf32, #tpu.memory_space<vmem>>, vector<1x64x1024xf32>
    %swap3A_68 = vector.shape_cast %swap3A_67 : vector<1x64x1024xf32> to vector<64x1024xf32>
    %swap3A_69 = vector.shape_cast %select_n3A_63 : vector<64x1024xf32> to vector<1x64x1024xf32>
    tpu.vector_store %arg7[%swap3A_64, %swap3A_65, %swap3A_66], %swap3A_69 {strides = array<i32>} : memref<1x64x1024xf32, #tpu.memory_space<vmem>>, vector<1x64x1024xf32>,
    %eq3A_70 = arith.constant 49 : i32
    %eq3A_71 = arith.cmpi eq, %arg0, %eq3A_70 : i32
    %convert_element_type3A_72 = arith.extui %eq3A_71 : i1 to i32
    %cond3A_73 = arith.constant 0 : i32
    %cond3A_74 = arith.cmpi ne, %convert_element_type3A_72, %cond3A_73 : i32
    scf.if %cond3A_74 {
      %swap3A_75 = arith.constant 0 : index
      %swap3A_76 = arith.constant 0 : index
      %swap3A_77 = vector.load %arg8[%swap3A_75, %swap3A_76] : memref<64x1024xf32, #tpu.memory_space<vmem>>, vector<64x1024xf32>
      tpu.vector_store %arg8[%swap3A_75, %swap3A_76], %select_n3A {strides = array<i32>} : memref<64x1024xf32, #tpu.memory_space<vmem>>, vector<64x1024xf32>,
    } else {
    }
    return
  }
  func.func @transform_0(%arg0: i32) -> (i32, i32) {
    %c0_i32 = arith.constant 0 : i32
    %c0_i32_0 = arith.constant 0 : i32
    %c0_i32_1 = arith.constant 0 : i32
    return %c0_i32, %c0_i32_0 : i32, i32
  }
  func.func @transform_1(%arg0: i32) -> (i32, i32) {
    %c0_i32 = arith.constant 0 : i32
    %c0_i32_0 = arith.constant 0 : i32
    %c0_i32_1 = arith.constant 0 : i32
    return %c0_i32, %c0_i32_0 : i32, i32
  }
  func.func @transform_2(%arg0: i32) -> (i32, i32) {
    %c0_i32 = arith.constant 0 : i32
    %c0_i32_0 = arith.constant 0 : i32
    %c0_i32_1 = arith.constant 0 : i32
    return %c0_i32, %c0_i32_0 : i32, i32
  }
  func.func @transform_3(%arg0: i32) -> (i32, i32) {
    %c0_i32 = arith.constant 0 : i32
    %c0_i32_0 = arith.constant 0 : i32
    %c0_i32_1 = arith.constant 0 : i32
    return %c0_i32, %c0_i32_0 : i32, i32
  }
  func.func @transform_4(%arg0: i32) -> (i32, i32) {
    %c0_i32 = arith.constant 0 : i32
    %c0_i32_0 = arith.constant 0 : i32
    %c0_i32_1 = arith.constant 0 : i32
    return %c0_i32, %c0_i32_0 : i32, i32
  }
  func.func @transform_5(%arg0: i32) -> (i32, i32, i32) {
    %c0_i32 = arith.constant 0 : i32
    %c0_i32_0 = arith.constant 0 : i32
    %c0_i32_1 = arith.constant 0 : i32
    return %arg0, %c0_i32, %c0_i32_0 : i32, i32, i32
  }
  func.func @transform_6(%arg0: i32) -> (i32, i32, i32) {
    %c0_i32 = arith.constant 0 : i32
    %c0_i32_0 = arith.constant 0 : i32
    %c0_i32_1 = arith.constant 0 : i32
    return %arg0, %c0_i32, %c0_i32_0 : i32, i32, i32
  }
  func.func @transform_7(%arg0: i32) -> (i32, i32) {
    %c0_i32 = arith.constant 0 : i32
    %c0_i32_0 = arith.constant 0 : i32
    %c0_i32_1 = arith.constant 0 : i32
    return %c0_i32, %c0_i32_0 : i32, i32
  }
}

</mosaic_0001>

<sc_bundles>
// kernel: kernel.5.cloned.1.call-start
scs
__scs_entry_jumppad:
0x0: {  	(pc) =	sbr.rel $0x88, $3  }
0x1: {  	(tag) =	ssettag $0x0;
	lr =	simm.s32 $0x1  }
0x2: {  	[smem:$0x3F9A] =	sst lr;
	_ =	strace $0xD0000000  }
0x3: {  	_ = 	snop  }
0x4: {  	_ = 	snop  }
0x5: {  	_ = 	snop  }
0x6: {  	_ = 	snop  }
0x7: {  	_ = 	snop  }
__scs_overlays_trampoline_lowered:
0x8: {  	[smem:$0x3FA9] =	sst s0  }
0x9: {  	[smem:$0x3FAA] =	sst s1  }
0xa: {  	[smem:$0x3FAB] =	sst s2  }
0xb: {  	[smem:$0x3FAC] =	sst s3  }
0xc: {  	[smem:$0x3FAD] =	sst s4  }
0xd: {  	[smem:$0x3FAE] =	sst s5  }
0xe: {  	[smem:$0x3FAF] =	sst s6  }
0xf: {  	[smem:$0x3FB0] =	sst s7  }
0x10: {  	[smem:$0x3FB1] =	sst s8  }
0x11: {  	[smem:$0x3FB2] =	sst s9;
	s0 =	simm.s32 @!p0 $0x0  }
0x12: {  	s1 =	sld [smem:$0x3F98];
	s0 =	simm.s32 @p0 $0x1  }
0x13: {  	[smem:$0x3FB3] =	sst s0;
	s0 =	simm.s32 @!p1 $0x0  }
0x14: {  	s2 =	sld [smem:$0x3F97];
	s0 =	simm.s32 @p1 $0x1  }
0x15: {  	[smem:$0x3FB4] =	sst s0;
	s0 =	simm.s32 @!p2 $0x0  }
0x16: {  	s3 =	sld [smem:$0x3FDB];
	s0 =	simm.s32 @p2 $0x1  }
0x17: {  	s4 =	simm.s32 $0x1BF5;
	[smem:$0x3FB6] =	sst s0  }
0x18: {  	s0 =	sld [smem:$0x3F99];
	_ =	swait.ge [sflag:s4], $0x0  }
0x19: {  	s7 =	sld [smem:$0x3F9A]  }
0x1a: {  	s8 =	sadd.s32 $0xFFFFE003, lr  }
0x1b: {  	s9 =	sadd.s32 $0xFFFFFEF7, lr;
	s5 =	simm.s32 $0xFFFFFFFF;
	p2 =	slt.u32 s8, $0xFFFFF086  }
0x1c: {  	p1 =	slt.u32 s9, $0xF7A;
	s5 =	simm.s32 @!p2 $0x0  }
0x1d: {  	s5 =	simm.s32 @p1 $0x1;
	p0 =	seq.s32 s7, s2  }
0x1e: {  	s7 =	smul.u32 @!p0 $0xF7A, s2;
	p2 =	seq.s32 @!p0 s5, $0x0  }
0x1f: {  	s9 =	smul.u32 $0xF7A, s1;
	s8 =	simm.s32 @!p0 $0x1BF5;
	p2 =	por !p2, p0  }
0x20: {  	[sflag:s8] =	ssyncset.s32 @!p0 $0xFFFFF086;
	s6 =	sadd.s32 @!p0 s3, s7;
	s7 =	simm.s32 @!p0 $0x108  }
0x21: {  	s3 =	sadd.s32 s3, s9;
	s6 =	sadd.s32 @!p0 $0x88, s6;
	s7 =	simm.s32 @p2 $0x1082  }
0x22: {  	[simem:s7], [sflag:s8] =	dma.local @!p0 [hbm:s6], $0xF7A  }
0x23: {  	s9 =	sor.u32 $0xD0000000, s2;
	s6 =	simm.s32 $0x108;
	_ =	swait.ge @!p0 [sflag:s8], $0x0  }
0x24: {  	s3 =	sadd.s32 $0x88, s3;
	s6 =	simm.s32 @!p1 $0x1082;
	[sflag:s4] =	ssyncset.s32 $0xFFFFF086  }
0x25: {  	[simem:s6], [sflag:s4] =	dma.local [hbm:s3], $0xF7A  }
0x26: {  	[smem:$0x3F9A] =	sst s1;
	(tag) =	ssettag s2;
	_ =	strace s9  }
0x27: {  	s1 =	sld [smem:$0x3FAA]  }
0x28: {  	s2 =	sld [smem:$0x3FAB]  }
0x29: {  	s4 =	sld [smem:$0x3FAD]  }
0x2a: {  	p0 =	seq.s32 s5, $0x0;
	s5 =	sld [smem:$0x3FAE]  }
0x2b: {  	s6 =	sld [smem:$0x3FAF]  }
0x2c: {  	s7 =	sld [smem:$0x3FB0]  }
0x2d: {  	s3 =	simm.s32 $0x108;
	s8 =	sld [smem:$0x3FB1]  }
0x2e: {  	s3 =	simm.s32 @!p0 $0x1082;
	s9 =	sld [smem:$0x3FB2]  }
0x2f: {  	lr =	sadd.s32 s0, s3;
	s0 =	sld [smem:$0x3FA9]  }
0x30: {  	s3 =	sld [smem:$0x3FAC]  }
0x31: {  	[smem:$0x3FB5] =	sst s10  }
0x32: {  	s10 =	sld [smem:$0x3FB3];
	_ =	sdelay $0x3  }
0x33: {  	p0 =	seq.s32 s10, $0x1;
	s10 =	sld [smem:$0x3FB5];
	_ =	sdelay $0x3  }
0x34: {  	[smem:$0x3FB5] =	sst s10  }
0x35: {  	s10 =	sld [smem:$0x3FB4];
	_ =	sdelay $0x3  }
0x36: {  	p1 =	seq.s32 s10, $0x1;
	s10 =	sld [smem:$0x3FB5];
	_ =	sdelay $0x3  }
0x37: {  	[smem:$0x3FB5] =	sst s10  }
0x38: {  	s10 =	sld [smem:$0x3FB6]  }
0x39: {  	_ = 	snop;
	(pc) =	sbr.ind lr, $3  }
0x3a: {  	_ = 	snop  }
0x3b: {  	_ = 	snop  }
0x3c: {  	p2 =	seq.s32 s10, $0x1;
	s10 =	sld [smem:$0x3FB5]  }
0x3d: {  	_ =	shalt  }
0x3e: {  	_ =	shalt  }
0x3f: {  	_ =	shalt  }
0x40: {  	_ =	shalt  }
0x41: {  	_ =	shalt  }
0x42: {  	_ =	shalt  }
0x43: {  	_ =	shalt  }
0x44: {  	_ =	shalt  }
0x45: {  	_ =	shalt  }
0x46: {  	_ =	shalt  }
0x47: {  	_ =	shalt  }
0x48: {  	_ =	shalt  }
0x49: {  	_ =	shalt  }
0x4a: {  	_ =	shalt  }
0x4b: {  	_ =	shalt  }
0x4c: {  	_ =	shalt  }
0x4d: {  	_ =	shalt  }
0x4e: {  	_ =	shalt  }
0x4f: {  	_ =	shalt  }
0x50: {  	_ =	shalt  }
0x51: {  	_ =	shalt  }
0x52: {  	_ =	shalt  }
0x53: {  	_ =	shalt  }
0x54: {  	_ =	shalt  }
0x55: {  	_ =	shalt  }
0x56: {  	_ =	shalt  }
0x57: {  	_ =	shalt  }
0x58: {  	_ =	shalt  }
0x59: {  	_ =	shalt  }
0x5a: {  	_ =	shalt  }
0x5b: {  	_ =	shalt  }
0x5c: {  	_ =	shalt  }
0x5d: {  	_ =	shalt  }
0x5e: {  	_ =	shalt  }
0x5f: {  	_ =	shalt  }
0x60: {  	_ =	shalt  }
0x61: {  	_ =	shalt  }
0x62: {  	_ =	shalt  }
0x63: {  	_ =	shalt  }
0x64: {  	_ =	shalt  }
0x65: {  	_ =	shalt  }
0x66: {  	_ =	shalt  }
0x67: {  	_ =	shalt  }
0x68: {  	_ =	shalt  }
0x69: {  	_ =	shalt  }
0x6a: {  	_ =	shalt  }
0x6b: {  	_ =	shalt  }
0x6c: {  	_ =	shalt  }
0x6d: {  	_ =	shalt  }
0x6e: {  	_ =	shalt  }
0x6f: {  	_ =	shalt  }
0x70: {  	_ =	shalt  }
0x71: {  	_ =	shalt  }
0x72: {  	_ =	shalt  }
0x73: {  	_ =	shalt  }
0x74: {  	_ =	shalt  }
0x75: {  	_ =	shalt  }
0x76: {  	_ =	shalt  }
0x77: {  	_ =	shalt  }
0x78: {  	_ =	shalt  }
0x79: {  	_ =	shalt  }
0x7a: {  	_ =	shalt  }
0x7b: {  	_ =	shalt  }
0x7c: {  	_ =	shalt  }
0x7d: {  	_ =	shalt  }
0x7e: {  	_ =	shalt  }
0x7f: {  	_ =	shalt  }
0x80: {  	_ =	shalt  }
0x81: {  	_ =	shalt  }
0x82: {  	_ =	shalt  }
0x83: {  	_ =	shalt  }
0x84: {  	_ =	shalt  }
0x85: {  	_ =	shalt  }
0x86: {  	_ =	shalt  }
0x87: {  	_ =	shalt  }
.Lfunc_end0:
.L_simem_size_0:
called_computation_lowered:
.L_overlay_start_0:
0x88: {  	s2 =	sld [smem:$0x3FD9]  }
0x89: {  	s3 =	sld [smem:$0x3FFE];
	_ =	sdelay $0x1  }
0x8a: {  	s1 =	srdreg.scid  }
0x8b: {  	s0 =	sand.u32 $0x1, s1  }
0x8c: {  	s14 =	sshll.u32 s0, $0xA;
	s2 =	sadd.s32 s3, s2  }
0x8d: {  	s2 =	sadd.s32 s2, s14  }
0x8e: {  	[smem:$0x3FC1] =	sst s2  }
0x8f: {  	_ = 	snop  }
0x90: {  	s2 =	sld [smem:$0x3FD0];
	_ =	sdelay $0x2  }
0x91: {  	s15 =	simm.s32 $0xA;
	s4 =	simm.s32 $0x10  }
0x92: {  	[smem:s4], [sflag:s15] =	dma.local [hbm:s2], $0x1  }
0x93: {  	_ =	swait.eq [sflag:s15], $0x1  }
0x94: {  	[sflag:s15] =	ssyncset.done $0x0  }
0x95: {  	s16 =	sld [smem:$0x10];
	[sflag:s15] =	ssyncadd.s32 $0xFFFFFFFF  }
0x96: {  	s17 =	sld [smem:$0x11];
	(tm) =	ssettm $0x1  }
0x97: {  	s18 =	sld [smem:$0x3FFB];
	_ =	sdelay $0x3  }
0x98: {  	_ =	strace s18  }
0x99: {  	s4 =	sld [smem:$0x3FFC];
	_ =	sdelay $0x3  }
0x9a: {  	_ =	strace s4  }
0x9b: {  	s4 =	sld [smem:$0x3FFD];
	_ =	sdelay $0x3  }
0x9c: {  	_ =	strace s4  }
0x9d: {  	_ =	strace $0x8FFFFFFF  }
0x9e: {  	s19 =	sld [smem:$0x3FDB];
	_ =	sdelay $0x1  }
0x9f: {  	s5 =	simm.s32 $_scs_section_size  }
0xa0: {  	s6 =	simm.s32 $_size__tile_overlayer_lowered;
	s7 =	simm.s32 $_tile_overlayer_lowered  }
0xa1: {  	s22 =	simm.s32 $0x1BFF;
	s21 =	sshll.u32 s7, $0x1;
	s4 =	sadd.s32 s5, s19  }
0xa2: {  	s8 =	simm.s32 $0x0;
	s20 =	sshll.u32 s6, $0x1;
	s6 =	sadd.s32 s21, s4  }
0xa3: {  	[timem:s8], [sflag:s22] =	dma.local [hbm:s6], s20  }
0xa4: {  	_ =	swait.ge [sflag:s22], s20  }
0xa5: {  	s5 =	ssub.s32 $0x0, s20;
	[sflag:s22] =	ssyncset.done $0x0  }
0xa6: {  	[sflag:s22] =	ssyncadd.s32 s5;
	_ =	sdelay $0x1  }
0xa7: {  	s23 =	simm.s32 $0x1B8B  }
0xa8: {  	_ =	swait.ge [sflag:s23], $0x1  }
0xa9: {  	[sflag:s23] =	ssyncset.done $0x0  }
0xaa: {  	s25 =	simm.s32 $0x1B8E;
	s24 =	sld [smem:$0x3FFE];
	[sflag:s23] =	ssyncadd.s32 $0xFFFFFFFF  }
0xab: {  	s26 =	simm.s32 $execute0_lowered;
	[smem:$0x3FD2] =	sst s25  }
0xac: {  	s6 =	sshll.u32 s26, $0x1;
	_ =	strace $0x80000046;
	[dreg:$0x1] =	wrdreg $0xFFFFFFFF  }
0xad: {  	s28 =	simm.s32 $_size_execute0_lowered;
	s4 =	sadd.s32 s4, s6;
	[dreg:$0x0] =	wrdreg $0x0  }
0xae: {  	s6 =	sshll.u32 s28, $0x1;
	[dreg:$0x2] =	wrdreg s4  }
0xaf: {  	[dreg:$0x3] =	wrdreg s6  }
0xb0: {  	[dreg:$0x4] =	wrdreg $0xC0  }
0xb1: {  	_ =	task [dreg:s8], $0x5FFFF  }
0xb2: {  	[dreg:$0x1] =	wrdreg $0xFFFFFFFF  }
0xb3: {  	[dreg:$0x0] =	wrdreg $0x60  }
0xb4: {  	[dreg:$0x2] =	wrdreg s24  }
0xb5: {  	[dreg:$0x3] =	wrdreg s17  }
0xb6: {  	[dreg:$0x4] =	wrdreg s16  }
0xb7: {  	[dreg:$0x5] =	wrdreg $0x9  }
0xb8: {  	_ =	task.clear_ibuf [dreg:s8], $0x6FFFF;
	_ =	strace $0x90000046  }
0xb9: {  	s29 =	simm.s32 $0x9;
	_ =	strace $0x80000048  }
0xba: {  	_ =	swait.ge [sflag:s29], $0x1  }
0xbb: {  	[sflag:s29] =	ssyncadd.s32 $0xFFFFFFFF  }
0xbc: {  	_ =	strace $0x90000048  }
0xbd: {  	_ =	sfence  }
0xbe: {  	s30 =	sld [smem:$0x0];
	_ =	sdelay $0x2  }
0xbf: {  	s31 =	sshll.u32 s1, $0xD;
	s1 =	sshrl.u32 s1, $0x2  }
0xc0: {  	s3 =	sand.u32 $0x4000, s31;
	s1 =	sadd.s32 s1, s30  }
0xc1: {  	s0 =	sor.u32 s3, s0;
	s1 =	sshll.u32 s1, $0x11  }
0xc2: {  	s0 =	sor.u32 s1, s0  }
0xc3: {  	s0 =	sadd.s32 $0x8F2B, s0  }
0xc4: {  	[sflag:s0] =	ssyncadd.remote.s32 $0x1  }
0xc5: {  	_ =	sfence.sel $0xFFFF  }
0xc6: {  	[dreg:$0x0] =	wrdreg $0xFFFFFFFF;
	(pc) =	sbr.abs _section_cstart, $3  }
0xc7: {  	[dreg:$0x1] =	wrdreg $0xFFFFFFFF  }
0xc8: {  	_ =	task.clear_ibuf [dreg:s8], $0x2FFFF;
	_ =	strace $0x9FFFFFFF  }
0xc9: {  	(tm) =	ssettm $0x7FFFFFFF  }
tec
execute0_lowered:
.L_overlay_start_1:
0x0: {  	(tag) =	ssettag $0x1  }
0x1: {  	s4 =	rddreg [dreg:$0x0]  }
0x2: {  	s1 =	srdreg.scid;
	s0 =	stileid.u32  }
0x3: {  	s3 =	rddreg [dreg:$0x1];
	s1 =	sand.u32 $0x1, s1;
	s2 =	sshll.u32 s0, $0x1  }
0x4: {  	s5 =	rddreg [dreg:$0x2];
	s6 =	sor.u32 s1, s2;
	s2 =	simm.s32 $0x0  }
0x5: {  	s0 =	simm.s32 $0x1A40;
	[smem:$0x7FF] =	sst s2  }
0x6: {  	s8 =	simm.s32 $0x4240;
	_ =	strace $0x80000047;
	[dreg:$0x6] =	wrdreg s0  }
0x7: {  	s9 =	simm.s32 $0x140;
	[dreg:$0xa] =	wrdreg s8  }
0x8: {  	s10 =	simm.s32 $0x5640;
	[dreg:$0xb] =	wrdreg s9  }
0x9: {  	s11 =	simm.s32 $0x190;
	[dreg:$0xc] =	wrdreg s10  }
0xa: {  	s12 =	simm.s32 $0x6A40;
	[dreg:$0xd] =	wrdreg s11  }
0xb: {  	s13 =	simm.s32 $0x1E0;
	[dreg:$0xe] =	wrdreg s12  }
0xc: {  	s14 =	simm.s32 $0x7E40;
	[dreg:$0xf] =	wrdreg s13  }
0xd: {  	s15 =	simm.s32 $0x230;
	[dreg:$0x10] =	wrdreg s14  }
0xe: {  	s16 =	simm.s32 $0x9240;
	s7 =	smul.u32 $0xC8, s6;
	[dreg:$0x11] =	wrdreg s15  }
0xf: {  	s18 =	simm.s32 $0x280;
	s6 =	smul.u32 $0x3200, s6;
	[dreg:$0x12] =	wrdreg s16  }
0x10: {  	[dreg:$0x13] =	wrdreg s18;
	s3 =	sadd.s32 s3, s7  }
0x11: {  	s26 =	sadd.s32 s5, s6;
	[dreg:$0x4] =	wrdreg s3  }
0x12: {  	s5 =	simm.s32 $0xA0;
	[dreg:$0x5] =	wrdreg s26  }
0x13: {  	s6 =	simm.s32 $0x2E40;
	[dreg:$0x7] =	wrdreg s5  }
0x14: {  	s7 =	simm.s32 $0xF0;
	[dreg:$0x8] =	wrdreg s6  }
0x15: {  	[dreg:$0x9] =	wrdreg s7  }
0x16: {  	s3 =	simm.s32 $0x2;
	s17 =	rddreg [dreg:$0x4]  }
0x17: {  	[tilespmem:s2], [sflag:$0x2] =	stream.linear.gather [hbm4b:s17+s2], $0x640, $0x38;
	[tilespmem:$0x19640] =	vst v63  }
0x18: {  	_ =	swait.ge [sflag:s3], $0x640  }
0x19: {  	s19 =	rddreg [dreg:$0x12]  }
0x1a: {  	s8 =	rddreg [dreg:$0x10]  }
0x1b: {  	s9 =	rddreg [dreg:$0xe]  }
0x1c: {  	s4 =	sadd.s32 $0x400, s4;
	s10 =	rddreg [dreg:$0xc]  }
0x1d: {  	s6 =	simm.s32 $0x50;
	s11 =	rddreg [dreg:$0x7];
	[sflag:s3] =	ssyncset.done $0x0  }
0x1e: {  	s5 =	simm.s32 $0x640;
	s12 =	rddreg [dreg:$0x6];
	[sflag:s3] =	ssyncadd.s32 $0xFFFFF9C0  }
0x1f: {  	[tilespmem:s5], [sflag:$0x1] =	stream.indirect.gather [hbm4b:s4+s6], $0x40, s2, s6, $0xb8;
	[tilespmem:$0x19640] =	vst v63  }
0x20: {  	s13 =	rddreg [dreg:$0x8]  }
0x21: {  	[tilespmem:s12], [sflag:$0x1] =	stream.indirect.gather [hbm4b:s4+s6], $0x40, s6, s6, $0xb8;
	[tilespmem:$0x19640] =	vst v63  }
0x22: {  	s14 =	rddreg [dreg:$0xa]  }
0x23: {  	[tilespmem:s13], [sflag:$0x1] =	stream.indirect.gather [hbm4b:s4+s6], $0x40, s11, s6, $0xb8;
	[tilespmem:$0x19640] =	vst v63  }
0x24: {  	s20 =	rddreg [dreg:$0x9]  }
0x25: {  	[tilespmem:s14], [sflag:$0x1] =	stream.indirect.gather [hbm4b:s4+s6], $0x40, s20, s6, $0xb8;
	[tilespmem:$0x19640] =	vst v63  }
0x26: {  	s21 =	rddreg [dreg:$0xb]  }
0x27: {  	[tilespmem:s10], [sflag:$0x1] =	stream.indirect.gather [hbm4b:s4+s6], $0x40, s21, s6, $0xb8;
	[tilespmem:$0x19640] =	vst v63  }
0x28: {  	s22 =	rddreg [dreg:$0xd]  }
0x29: {  	[tilespmem:s9], [sflag:$0x1] =	stream.indirect.gather [hbm4b:s4+s6], $0x40, s22, s6, $0xb8;
	[tilespmem:$0x19640] =	vst v63  }
0x2a: {  	s23 =	rddreg [dreg:$0xf]  }
0x2b: {  	[tilespmem:s8], [sflag:$0x1] =	stream.indirect.gather [hbm4b:s4+s6], $0x40, s23, s6, $0xb8;
	[tilespmem:$0x19640] =	vst v63  }
0x2c: {  	s24 =	rddreg [dreg:$0x11]  }
0x2d: {  	[tilespmem:s19], [sflag:$0x1] =	stream.indirect.gather [hbm4b:s4+s6], $0x40, s24, s6, $0xb8;
	[tilespmem:$0x19640] =	vst v63  }
0x2e: {  	s26 =	simm.s32 $0xA640;
	s25 =	rddreg [dreg:$0x13]  }
0x2f: {  	[tilespmem:s26], [sflag:$0x1] =	stream.indirect.gather [hbm4b:s4+s6], $0x40, s25, s6, $0xb8;
	[tilespmem:$0x19640] =	vst v63  }
0x30: {  	s7 =	simm.s32 $0x2D0;
	s8 =	simm.s32 $0xBA40  }
0x31: {  	[tilespmem:s8], [sflag:$0x1] =	stream.indirect.gather [hbm4b:s4+s6], $0x40, s7, s6, $0xb8;
	[tilespmem:$0x19640] =	vst v63  }
0x32: {  	s10 =	simm.s32 $0xCE40;
	s9 =	simm.s32 $0x320  }
0x33: {  	[tilespmem:s10], [sflag:$0x1] =	stream.indirect.gather [hbm4b:s4+s6], $0x40, s9, s6, $0xb8;
	[tilespmem:$0x19640] =	vst v63  }
0x34: {  	s12 =	simm.s32 $0xE240;
	s11 =	simm.s32 $0x370  }
0x35: {  	[tilespmem:s12], [sflag:$0x1] =	stream.indirect.gather [hbm4b:s4+s6], $0x40, s11, s6, $0xb8;
	[tilespmem:$0x19640] =	vst v63  }
0x36: {  	s15 =	simm.s32 $0xF640;
	s14 =	simm.s32 $0x3C0  }
0x37: {  	[tilespmem:s15], [sflag:$0x1] =	stream.indirect.gather [hbm4b:s4+s6], $0x40, s14, s6, $0xb8;
	[tilespmem:$0x19640] =	vst v63  }
0x38: {  	s16 =	simm.s32 $0x410;
	s17 =	simm.s32 $0x10A40  }
0x39: {  	[tilespmem:s17], [sflag:$0x1] =	stream.indirect.gather [hbm4b:s4+s6], $0x40, s16, s6, $0xb8;
	[tilespmem:$0x19640] =	vst v63  }
0x3a: {  	s18 =	simm.s32 $0x460;
	s19 =	simm.s32 $0x11E40  }
0x3b: {  	[tilespmem:s19], [sflag:$0x1] =	stream.indirect.gather [hbm4b:s4+s6], $0x40, s18, s6, $0xb8;
	[tilespmem:$0x19640] =	vst v63  }
0x3c: {  	s20 =	simm.s32 $0x4B0;
	s21 =	simm.s32 $0x13240  }
0x3d: {  	[tilespmem:s21], [sflag:$0x1] =	stream.indirect.gather [hbm4b:s4+s6], $0x40, s20, s6, $0xb8;
	[tilespmem:$0x19640] =	vst v63  }
0x3e: {  	s22 =	simm.s32 $0x500;
	s23 =	simm.s32 $0x14640  }
0x3f: {  	[tilespmem:s23], [sflag:$0x1] =	stream.indirect.gather [hbm4b:s4+s6], $0x40, s22, s6, $0xb8;
	[tilespmem:$0x19640] =	vst v63  }
0x40: {  	s24 =	simm.s32 $0x550;
	s25 =	simm.s32 $0x15A40  }
0x41: {  	[tilespmem:s25], [sflag:$0x1] =	stream.indirect.gather [hbm4b:s4+s6], $0x40, s24, s6, $0xb8;
	[tilespmem:$0x19640] =	vst v63  }
0x42: {  	s28 =	simm.s32 $0x16E40;
	s26 =	simm.s32 $0x5A0  }
0x43: {  	[tilespmem:s28], [sflag:$0x1] =	stream.indirect.gather [hbm4b:s4+s6], $0x40, s26, s6, $0xb8;
	[tilespmem:$0x19640] =	vst v63  }
0x44: {  	s30 =	simm.s32 $0x5F0;
	s31 =	simm.s32 $0x18240;
	s29 =	simm.s32 $0x1  }
0x45: {  	[tilespmem:s31], [sflag:$0x1] =	stream.indirect.gather [hbm4b:s4+s6], $0x40, s30, s6, $0xb8;
	[tilespmem:$0x19640] =	vst v63  }
0x46: {  	_ =	swait.ge [sflag:s29], $0x1400  }
0x47: {  	[sflag:s29] =	ssyncset.done $0x0  }
0x48: {  	[sflag:s29] =	ssyncadd.s32 $0xFFFFEC00  }
0x49: {  	_ =	swait.ge [sflag:s29], $0x1400  }
0x4a: {  	[sflag:s29] =	ssyncset.done $0x0  }
0x4b: {  	[sflag:s29] =	ssyncadd.s32 $0xFFFFEC00  }
0x4c: {  	_ =	swait.ge [sflag:s29], $0x1400  }
0x4d: {  	[sflag:s29] =	ssyncset.done $0x0  }
0x4e: {  	[sflag:s29] =	ssyncadd.s32 $0xFFFFEC00  }
0x4f: {  	_ =	swait.ge [sflag:s29], $0x1400  }
0x50: {  	[sflag:s29] =	ssyncset.done $0x0  }
0x51: {  	[sflag:s29] =	ssyncadd.s32 $0xFFFFEC00  }
0x52: {  	_ =	swait.ge [sflag:s29], $0x1400  }
0x53: {  	[sflag:s29] =	ssyncset.done $0x0  }
0x54: {  	[sflag:s29] =	ssyncadd.s32 $0xFFFFEC00  }
0x55: {  	_ =	swait.ge [sflag:s29], $0x1400  }
0x56: {  	[sflag:s29] =	ssyncset.done $0x0  }
0x57: {  	[sflag:s29] =	ssyncadd.s32 $0xFFFFEC00  }
0x58: {  	_ =	swait.ge [sflag:s29], $0x1400  }
0x59: {  	[sflag:s29] =	ssyncset.done $0x0  }
0x5a: {  	[sflag:s29] =	ssyncadd.s32 $0xFFFFEC00  }
0x5b: {  	_ =	swait.ge [sflag:s29], $0x1400  }
0x5c: {  	[sflag:s29] =	ssyncset.done $0x0  }
0x5d: {  	[sflag:s29] =	ssyncadd.s32 $0xFFFFEC00  }
0x5e: {  	_ =	swait.ge [sflag:s29], $0x1400  }
0x5f: {  	[sflag:s29] =	ssyncset.done $0x0  }
0x60: {  	[sflag:s29] =	ssyncadd.s32 $0xFFFFEC00  }
0x61: {  	_ =	swait.ge [sflag:s29], $0x1400  }
0x62: {  	[sflag:s29] =	ssyncset.done $0x0  }
0x63: {  	[sflag:s29] =	ssyncadd.s32 $0xFFFFEC00  }
0x64: {  	_ =	swait.ge [sflag:s29], $0x1400  }
0x65: {  	[sflag:s29] =	ssyncset.done $0x0  }
0x66: {  	[sflag:s29] =	ssyncadd.s32 $0xFFFFEC00  }
0x67: {  	_ =	swait.ge [sflag:s29], $0x1400  }
0x68: {  	[sflag:s29] =	ssyncset.done $0x0  }
0x69: {  	[sflag:s29] =	ssyncadd.s32 $0xFFFFEC00  }
0x6a: {  	_ =	swait.ge [sflag:s29], $0x1400  }
0x6b: {  	[sflag:s29] =	ssyncset.done $0x0  }
0x6c: {  	[sflag:s29] =	ssyncadd.s32 $0xFFFFEC00  }
0x6d: {  	_ =	swait.ge [sflag:s29], $0x1400  }
0x6e: {  	[sflag:s29] =	ssyncset.done $0x0  }
0x6f: {  	[sflag:s29] =	ssyncadd.s32 $0xFFFFEC00  }
0x70: {  	_ =	swait.ge [sflag:s29], $0x1400  }
0x71: {  	[sflag:s29] =	ssyncset.done $0x0  }
0x72: {  	[sflag:s29] =	ssyncadd.s32 $0xFFFFEC00  }
0x73: {  	_ =	swait.ge [sflag:s29], $0x1400  }
0x74: {  	[sflag:s29] =	ssyncset.done $0x0  }
0x75: {  	[sflag:s29] =	ssyncadd.s32 $0xFFFFEC00  }
0x76: {  	s1 =	ssub.s32 $0x2, s1;
	_ =	swait.ge [sflag:s29], $0x1400  }
0x77: {  	s13 =	sshrl.u32 s1, $0x1;
	[sflag:s29] =	ssyncset.done $0x0  }
0x78: {  	s0 =	ssub.s32 s1, s13;
	[sflag:s29] =	ssyncadd.s32 $0xFFFFEC00  }
0x79: {  	s0 =	smax.u32 s0, $0x1;
	_ =	swait.ge [sflag:s29], $0x1400  }
0x7a: {  	p0 =	sne.s32 s0, $0x1;
	[sflag:s29] =	ssyncset.done $0x0  }
.Ltmp0:
0x7b: {  	[sflag:s29] =	ssyncadd.s32 $0xFFFFEC00;
	(pc) =	sbr.rel @!p0 .LBB2_2-.Ltmp0, $4  }
0x7c: {  	_ =	swait.ge [sflag:s29], $0x1400  }
0x7d: {  	[sflag:s29] =	ssyncset.done $0x0  }
0x7e: {  	[sflag:s29] =	ssyncadd.s32 $0xFFFFEC00  }
0x7f: {  	s1 =	sadd.s32 $0xFFFFFFFF, s0;
	_ =	swait.ge [sflag:s29], $0x1400  }
.LBB2_1:
0x80: {  	[sflag:s29] =	ssyncset.done $0x0  }
0x81: {  	s0 =	rddreg [dreg:$0x5];
	[sflag:s29] =	ssyncadd.s32 $0xFFFFEC00  }
0x82: {  	[hbm4b:s0+s2] =	stream.linear.scatter [tilespmem:s5], [sflag:$0x2], $0x19000, $0x38;
	[tilespmem:$0x19640] =	vst v63  }
0x83: {  	_ =	swait.ge [sflag:s3], $0x19000  }
0x84: {  	[sflag:s3] =	ssyncset.done $0x0  }
0x85: {  	s11 =	rddreg [dreg:$0x4];
	[sflag:s3] =	ssyncadd.s32 $0xFFFE7000  }
0x86: {  	[tilespmem:s2], [sflag:$0x2] =	stream.linear.gather [hbm4b:s11+s2], $0x640, $0x38;
	[tilespmem:$0x19640] =	vst v63  }
0x87: {  	_ =	swait.ge [sflag:s3], $0x640  }
0x88: {  	s0 =	rddreg [dreg:$0x12]  }
0x89: {  	s7 =	rddreg [dreg:$0x10]  }
0x8a: {  	s8 =	rddreg [dreg:$0xe]  }
0x8b: {  	s9 =	rddreg [dreg:$0xc]  }
0x8c: {  	s10 =	rddreg [dreg:$0x7];
	[sflag:s3] =	ssyncset.done $0x0  }
0x8d: {  	s11 =	rddreg [dreg:$0x6];
	[sflag:s3] =	ssyncadd.s32 $0xFFFFF9C0  }
0x8e: {  	[tilespmem:s5], [sflag:$0x1] =	stream.indirect.gather [hbm4b:s4+s6], $0x40, s2, s6, $0xb8;
	[tilespmem:$0x19640] =	vst v63  }
0x8f: {  	s12 =	rddreg [dreg:$0x8]  }
0x90: {  	[tilespmem:s11], [sflag:$0x1] =	stream.indirect.gather [hbm4b:s4+s6], $0x40, s6, s6, $0xb8;
	[tilespmem:$0x19640] =	vst v63  }
0x91: {  	s13 =	rddreg [dreg:$0xa]  }
0x92: {  	[tilespmem:s12], [sflag:$0x1] =	stream.indirect.gather [hbm4b:s4+s6], $0x40, s10, s6, $0xb8;
	[tilespmem:$0x19640] =	vst v63  }
0x93: {  	s11 =	rddreg [dreg:$0x9]  }
0x94: {  	[tilespmem:s13], [sflag:$0x1] =	stream.indirect.gather [hbm4b:s4+s6], $0x40, s11, s6, $0xb8;
	[tilespmem:$0x19640] =	vst v63  }
0x95: {  	s12 =	rddreg [dreg:$0xb]  }
0x96: {  	[tilespmem:s9], [sflag:$0x1] =	stream.indirect.gather [hbm4b:s4+s6], $0x40, s12, s6, $0xb8;
	[tilespmem:$0x19640] =	vst v63  }
0x97: {  	s13 =	rddreg [dreg:$0xd]  }
0x98: {  	[tilespmem:s8], [sflag:$0x1] =	stream.indirect.gather [hbm4b:s4+s6], $0x40, s13, s6, $0xb8;
	[tilespmem:$0x19640] =	vst v63  }
0x99: {  	s10 =	rddreg [dreg:$0xf]  }
0x9a: {  	[tilespmem:s7], [sflag:$0x1] =	stream.indirect.gather [hbm4b:s4+s6], $0x40, s10, s6, $0xb8;
	[tilespmem:$0x19640] =	vst v63  }
0x9b: {  	s11 =	rddreg [dreg:$0x11]  }
0x9c: {  	[tilespmem:s0], [sflag:$0x1] =	stream.indirect.gather [hbm4b:s4+s6], $0x40, s11, s6, $0xb8;
	[tilespmem:$0x19640] =	vst v63  }
0x9d: {  	s12 =	rddreg [dreg:$0x13];
	s13 =	simm.s32 $0xA640  }
0x9e: {  	[tilespmem:s13], [sflag:$0x1] =	stream.indirect.gather [hbm4b:s4+s6], $0x40, s12, s6, $0xb8;
	[tilespmem:$0x19640] =	vst v63  }
0x9f: {  	s9 =	simm.s32 $0xBA40;
	s8 =	simm.s32 $0x2D0  }
0xa0: {  	[tilespmem:s9], [sflag:$0x1] =	stream.indirect.gather [hbm4b:s4+s6], $0x40, s8, s6, $0xb8;
	[tilespmem:$0x19640] =	vst v63  }
0xa1: {  	s10 =	simm.s32 $0x320;
	s11 =	simm.s32 $0xCE40  }
0xa2: {  	[tilespmem:s11], [sflag:$0x1] =	stream.indirect.gather [hbm4b:s4+s6], $0x40, s10, s6, $0xb8;
	[tilespmem:$0x19640] =	vst v63  }
0xa3: {  	s12 =	simm.s32 $0x370;
	s13 =	simm.s32 $0xE240  }
0xa4: {  	[tilespmem:s13], [sflag:$0x1] =	stream.indirect.gather [hbm4b:s4+s6], $0x40, s12, s6, $0xb8;
	[tilespmem:$0x19640] =	vst v63  }
0xa5: {  	_ = 	snop  }
0xa6: {  	[tilespmem:s15], [sflag:$0x1] =	stream.indirect.gather [hbm4b:s4+s6], $0x40, s14, s6, $0xb8;
	[tilespmem:$0x19640] =	vst v63  }
0xa7: {  	_ = 	snop  }
0xa8: {  	[tilespmem:s17], [sflag:$0x1] =	stream.indirect.gather [hbm4b:s4+s6], $0x40, s16, s6, $0xb8;
	[tilespmem:$0x19640] =	vst v63  }
0xa9: {  	_ = 	snop  }
0xaa: {  	[tilespmem:s19], [sflag:$0x1] =	stream.indirect.gather [hbm4b:s4+s6], $0x40, s18, s6, $0xb8;
	[tilespmem:$0x19640] =	vst v63  }
0xab: {  	_ = 	snop  }
0xac: {  	[tilespmem:s21], [sflag:$0x1] =	stream.indirect.gather [hbm4b:s4+s6], $0x40, s20, s6, $0xb8;
	[tilespmem:$0x19640] =	vst v63  }
0xad: {  	_ = 	snop  }
0xae: {  	[tilespmem:s23], [sflag:$0x1] =	stream.indirect.gather [hbm4b:s4+s6], $0x40, s22, s6, $0xb8;
	[tilespmem:$0x19640] =	vst v63  }
0xaf: {  	_ = 	snop  }
0xb0: {  	[tilespmem:s25], [sflag:$0x1] =	stream.indirect.gather [hbm4b:s4+s6], $0x40, s24, s6, $0xb8;
	[tilespmem:$0x19640] =	vst v63  }
0xb1: {  	_ = 	snop  }
0xb2: {  	[tilespmem:s28], [sflag:$0x1] =	stream.indirect.gather [hbm4b:s4+s6], $0x40, s26, s6, $0xb8;
	[tilespmem:$0x19640] =	vst v63  }
0xb3: {  	_ = 	snop  }
0xb4: {  	[tilespmem:s31], [sflag:$0x1] =	stream.indirect.gather [hbm4b:s4+s6], $0x40, s30, s6, $0xb8;
	[tilespmem:$0x19640] =	vst v63  }
0xb5: {  	_ =	swait.ge [sflag:s29], $0x1400  }
0xb6: {  	[sflag:s29] =	ssyncset.done $0x0  }
0xb7: {  	[sflag:s29] =	ssyncadd.s32 $0xFFFFEC00  }
0xb8: {  	_ =	swait.ge [sflag:s29], $0x1400  }
0xb9: {  	[sflag:s29] =	ssyncset.done $0x0  }
0xba: {  	[sflag:s29] =	ssyncadd.s32 $0xFFFFEC00  }
0xbb: {  	_ =	swait.ge [sflag:s29], $0x1400  }
0xbc: {  	[sflag:s29] =	ssyncset.done $0x0  }
0xbd: {  	[sflag:s29] =	ssyncadd.s32 $0xFFFFEC00  }
0xbe: {  	_ =	swait.ge [sflag:s29], $0x1400  }
0xbf: {  	[sflag:s29] =	ssyncset.done $0x0  }
0xc0: {  	[sflag:s29] =	ssyncadd.s32 $0xFFFFEC00  }
0xc1: {  	_ =	swait.ge [sflag:s29], $0x1400  }
0xc2: {  	[sflag:s29] =	ssyncset.done $0x0  }
0xc3: {  	[sflag:s29] =	ssyncadd.s32 $0xFFFFEC00  }
0xc4: {  	_ =	swait.ge [sflag:s29], $0x1400  }
0xc5: {  	[sflag:s29] =	ssyncset.done $0x0  }
0xc6: {  	[sflag:s29] =	ssyncadd.s32 $0xFFFFEC00  }
0xc7: {  	_ =	swait.ge [sflag:s29], $0x1400  }
0xc8: {  	[sflag:s29] =	ssyncset.done $0x0  }
0xc9: {  	[sflag:s29] =	ssyncadd.s32 $0xFFFFEC00  }
0xca: {  	_ =	swait.ge [sflag:s29], $0x1400  }
0xcb: {  	[sflag:s29] =	ssyncset.done $0x0  }
0xcc: {  	[sflag:s29] =	ssyncadd.s32 $0xFFFFEC00  }
0xcd: {  	_ =	swait.ge [sflag:s29], $0x1400  }
0xce: {  	[sflag:s29] =	ssyncset.done $0x0  }
0xcf: {  	[sflag:s29] =	ssyncadd.s32 $0xFFFFEC00  }
0xd0: {  	_ =	swait.ge [sflag:s29], $0x1400  }
0xd1: {  	[sflag:s29] =	ssyncset.done $0x0  }
0xd2: {  	[sflag:s29] =	ssyncadd.s32 $0xFFFFEC00  }
0xd3: {  	_ =	swait.ge [sflag:s29], $0x1400  }
0xd4: {  	[sflag:s29] =	ssyncset.done $0x0  }
0xd5: {  	[sflag:s29] =	ssyncadd.s32 $0xFFFFEC00  }
0xd6: {  	_ =	swait.ge [sflag:s29], $0x1400  }
0xd7: {  	[sflag:s29] =	ssyncset.done $0x0  }
0xd8: {  	[sflag:s29] =	ssyncadd.s32 $0xFFFFEC00  }
0xd9: {  	_ =	swait.ge [sflag:s29], $0x1400  }
0xda: {  	[sflag:s29] =	ssyncset.done $0x0  }
0xdb: {  	[sflag:s29] =	ssyncadd.s32 $0xFFFFEC00  }
0xdc: {  	_ =	swait.ge [sflag:s29], $0x1400  }
0xdd: {  	[sflag:s29] =	ssyncset.done $0x0  }
0xde: {  	[sflag:s29] =	ssyncadd.s32 $0xFFFFEC00  }
0xdf: {  	_ =	swait.ge [sflag:s29], $0x1400  }
0xe0: {  	[sflag:s29] =	ssyncset.done $0x0  }
0xe1: {  	[sflag:s29] =	ssyncadd.s32 $0xFFFFEC00  }
0xe2: {  	_ =	swait.ge [sflag:s29], $0x1400  }
0xe3: {  	[sflag:s29] =	ssyncset.done $0x0  }
0xe4: {  	[sflag:s29] =	ssyncadd.s32 $0xFFFFEC00  }
0xe5: {  	_ =	swait.ge [sflag:s29], $0x1400  }
0xe6: {  	[sflag:s29] =	ssyncset.done $0x0  }
0xe7: {  	[sflag:s29] =	ssyncadd.s32 $0xFFFFEC00  }
0xe8: {  	_ =	swait.ge [sflag:s29], $0x1400  }
0xe9: {  	p0 =	sne.s32 s1, $0x1;
	[sflag:s29] =	ssyncset.done $0x0  }
.Ltmp1:
0xea: {  	[sflag:s29] =	ssyncadd.s32 $0xFFFFEC00;
	(pc) =	sbr.rel @p0 .LBB2_1-.Ltmp1, $4  }
0xeb: {  	_ =	swait.ge [sflag:s29], $0x1400  }
0xec: {  	[sflag:s29] =	ssyncset.done $0x0  }
0xed: {  	[sflag:s29] =	ssyncadd.s32 $0xFFFFEC00  }
0xee: {  	s1 =	sadd.s32 $0xFFFFFFFF, s1;
	_ =	swait.ge [sflag:s29], $0x1400  }
.LBB2_2:
0xef: {  	[sflag:s29] =	ssyncset.done $0x0  }
0xf0: {  	s0 =	rddreg [dreg:$0x5];
	[sflag:s29] =	ssyncadd.s32 $0xFFFFEC00  }
0xf1: {  	[hbm4b:s0+s2] =	stream.linear.scatter [tilespmem:s5], [sflag:$0x2], $0x19000, $0x38;
	[tilespmem:$0x19640] =	vst v63  }
0xf2: {  	_ =	swait.ge [sflag:s3], $0x19000  }
0xf3: {  	[sflag:s3] =	ssyncset.done $0x0  }
0xf4: {  	[sflag:s3] =	ssyncadd.s32 $0xFFFE7000  }
0xf5: {  	_ =	sfence.sel $0x180000  }
0xf6: {  	[bflag:$0x0] =	sbarrier.arrive $0xFFFF  }
0xf7: {  	_ =	strace $0x90000047  }
0xf8: {  	s31 =	stileid.u32;
	[bflag:$0x2] =	sbarrier.arrive $0xFFFF  }
0xf9: {  	p0 =	sne.s32 s31, $0x0;
	s0 =	rddreg [dreg:$0x3]  }
0xfa: {  	s0 =	sadd.s32 @!p0 $0x100000, s0  }
0xfb: {  	[sflag:s0] =	ssyncadd.tile.s32 @!p0 $0x1;
	_ =	shalt  }
.Lfunc_end2:
_tile_overlayer_lowered:
.L_overlay_start_2:
0xfc: {  	(tag) =	ssettag $0x2  }
0xfd: {  	s0 =	rddreg [dreg:$0x0];
	s2 =	stileid.u32  }
0xfe: {  	s1 =	rddreg [dreg:$0x1];
	p0 =	sne.s32 s2, $0x0  }
0xff: {  	s3 =	rddreg [dreg:$0x2];
	[bflag:$0x3] =	sbarrier.arrive $0xFFFF;
	s2 =	simm.s32 @!p0 $0x1C02  }
0x100: {  	[timem:s3], [sflag:s2] =	dma.local @!p0 [hbm:s0], s1  }
0x101: {  	s0 =	simm.s32 @!p0 $0x2  }
0x102: {  	_ =	swait.ge @!p0 [sflag:s0], s1  }
0x103: {  	s1 =	ssub.s32 @!p0 $0x0, s1;
	[sflag:s0] =	ssyncset.done @!p0 $0x0  }
0x104: {  	[sflag:s0] =	ssyncadd.s32 @!p0 s1  }
0x105: {  	[bflag:$0x3] =	sbarrier.arrive $0xFFFF  }
0x106: {  	_ =	shalt  }

</sc_bundles>
